<compile_context>
chip_gen: v7x
topology: tpu7x:2x2x1
jax: 0.10.2.dev20260603
libtpu: 0.0.44.dev20260713+nightly
codegen_flags: <defaults>
</compile_context>

<pallas_src>
import functools

import jax
import jax.numpy as jnp
from jax import lax
from jax.experimental import pallas as pl
from jax.experimental.pallas import tpu as pltpu
from jax.experimental.pallas import tpu_sc as plsc

N = 50000
E = 800000
D = 32

NW = 32
CE = 128
NCHUNK = E // CE
CFLOOR = NCHUNK // NW
CREM = NCHUNK % NW
IDXROWS = 2 * E // 128
GRP = 16


def _tc_body(nft_ref, wn_ref, bn_ref, wcat_ref, bcat_ref,
             num_ref, w0_ref, b0_ref, w1_ref, b1_ref,
             g_ref, hnum_ref):
    hnt = jnp.tanh(
        lax.dot_general(wn_ref[...], nft_ref[...], (((0,), (0,)), ((), ())),
                        preferred_element_type=jnp.float32) + bn_ref[...])
    g_ref[...] = lax.dot_general(hnt, wcat_ref[...], (((0,), (0,)), ((), ())),
                                 preferred_element_type=jnp.float32) + bcat_ref[...]

    @pl.when(pl.program_id(0) == 0)
    def _():
        h0 = jnp.tanh(jnp.dot(num_ref[...], w0_ref[...],
                              preferred_element_type=jnp.float32) + b0_ref[...])
        hnum_ref[...] = jnp.tanh(jnp.dot(h0, w1_ref[...],
                                         preferred_element_type=jnp.float32) + b1_ref[...])


def _tanh(x):
    e = jnp.exp(x + x)
    return 1.0 - 2.0 / (e + 1.0)


def _sc_body(g_hbm, eidx_hbm, he_hbm, ps_hbm,
             idx0_v, idx1_v, rows_v, out_v, acc_v, sem_g, sem_o):
    wid = lax.axis_index("c") * 16 + lax.axis_index("s")
    base_chunk = wid * CFLOOR + jnp.minimum(wid, CREM)
    nch = CFLOOR + (wid < CREM).astype(jnp.int32)
    ebase4 = base_chunk * (CE // 4)

    def grp_off(gi):
        return jnp.minimum(base_chunk + gi * GRP, NCHUNK - GRP)

    def grp_load(gi):
        off = grp_off(gi)
        pltpu.sync_copy(eidx_hbm.at[pl.ds(off, GRP)], idx0_v)
        pltpu.sync_copy(eidx_hbm.at[pl.ds(NCHUNK + off, GRP)], idx1_v)

    def fire_gathers(c, buf):
        rg = base_chunk + c - grp_off(c // GRP)
        dst = rows_v.at[buf]
        pltpu.async_copy(g_hbm.at[idx0_v.at[rg]], dst.at[pl.ds(0, CE)], sem_g)
        pltpu.async_copy(g_hbm.at[idx1_v.at[rg]], dst.at[pl.ds(CE, CE)], sem_g)

    def drain_gathers(c, buf):
        rg = base_chunk + c - grp_off(c // GRP)
        dst = rows_v.at[buf]
        pltpu.make_async_copy(g_hbm.at[idx0_v.at[rg]], dst.at[pl.ds(0, CE)], sem_g).wait()
        pltpu.make_async_copy(g_hbm.at[idx1_v.at[rg]], dst.at[pl.ds(CE, CE)], sem_g).wait()

    def drain_out():
        pltpu.make_async_copy(out_v.at[0], he_hbm.at[pl.ds(0, CE // 4)], sem_o).wait()

    def compute_chunk(buf, acc):
        @plsc.parallel_loop(0, CE, carry=acc, unroll=8)
        def acc2(j, c):
            alo, ahi = c
            r1 = CE + j
            a0l = rows_v[buf, j, pl.ds(0, 16)]
            a0h = rows_v[buf, j, pl.ds(16, 16)]
            b0l = rows_v[buf, j, pl.ds(32, 16)]
            b0h = rows_v[buf, j, pl.ds(48, 16)]
            a1l = rows_v[buf, r1, pl.ds(0, 16)]
            a1h = rows_v[buf, r1, pl.ds(16, 16)]
            b1l = rows_v[buf, r1, pl.ds(32, 16)]
            b1h = rows_v[buf, r1, pl.ds(48, 16)]
            lo = (_tanh(a0l + b1l) + _tanh(a1l + b0l)) * 0.5
            hi = (_tanh(a0h + b1h) + _tanh(a1h + b0h)) * 0.5
            orow = j // 4
            ocol = (j % 4) * 32
            out_v[buf, orow, pl.ds(ocol, 16)] = lo
            out_v[buf, orow, pl.ds(ocol + 16, 16)] = hi
            return (alo + lo, ahi + hi)

        return acc2

    grp_load(0)
    fire_gathers(0, 0)

    def chunk(c, acc):
        buf = c % 2
        drain_gathers(c, buf)

        @pl.when(c + 1 < nch)
        def _():
            @pl.when((c + 1) % GRP == 0)
            def _():
                grp_load((c + 1) // GRP)

            fire_gathers(c + 1, 1 - buf)

        @pl.when(c >= 2)
        def _():
            drain_out()

        acc = compute_chunk(buf, acc)
        pltpu.async_copy(out_v.at[buf], he_hbm.at[pl.ds(ebase4 + c * (CE // 4), CE // 4)], sem_o)
        return acc

    acc = lax.fori_loop(0, nch, chunk,
                        (jnp.zeros((16,), jnp.float32), jnp.zeros((16,), jnp.float32)))
    drain_out()
    drain_out()

    zero = jnp.zeros((16,), jnp.float32)
    acc_v[pl.ds(0, 16)] = acc[0]
    acc_v[pl.ds(16, 16)] = acc[1]
    for t in range(2, 8):
        acc_v[pl.ds(16 * t, 16)] = zero
    pltpu.sync_copy(acc_v, ps_hbm.at[wid])


_sc_edges = functools.partial(
    pl.kernel,
    out_type=(
        jax.ShapeDtypeStruct((E // 4, 128), jnp.float32),
        jax.ShapeDtypeStruct((NW, 128), jnp.float32),
    ),
    mesh=plsc.VectorSubcoreMesh(core_axis_name="c", subcore_axis_name="s"),
    scratch_types=[
        pltpu.VMEM((GRP, 128), jnp.int32),
        pltpu.VMEM((GRP, 128), jnp.int32),
        pltpu.VMEM((2, 2 * CE, 2 * D), jnp.float32),
        pltpu.VMEM((2, CE // 4, 128), jnp.float32),
        pltpu.VMEM((128,), jnp.float32),
        pltpu.SemaphoreType.DMA,
        pltpu.SemaphoreType.DMA,
    ],
    compiler_params=pltpu.CompilerParams(use_tc_tiling_on_sc=False),
)(_sc_body)


def kernel(numerical, node_feature, edge_feature, edge_index, edge_mask, stage,
           W_num0, b_num0, W_num1, b_num1, W_node, b_node, W_edge, b_edge):
    nft = node_feature[0].T
    wcat = jnp.concatenate(
        [W_edge[:D], W_edge[D:]], axis=1)
    bcat = jnp.concatenate([b_edge, jnp.zeros((D,), jnp.float32)])[None, :]

    R = 512
    full = lambda i: (0, 0)
    g_tab, h_num = pl.pallas_call(
        _tc_body,
        grid=(pl.cdiv(N, R),),
        in_specs=[
            pl.BlockSpec((D, R), lambda i: (0, i)),
            pl.BlockSpec((D, D), full),
            pl.BlockSpec((D, 1), full),
            pl.BlockSpec((D, 2 * D), full),
            pl.BlockSpec((1, 2 * D), full),
            pl.BlockSpec((1, 64), full),
            pl.BlockSpec((64, 64), full),
            pl.BlockSpec((1, 64), full),
            pl.BlockSpec((64, 32), full),
            pl.BlockSpec((1, 32), full),
        ],
        out_specs=[
            pl.BlockSpec((R, 2 * D), lambda i: (i, 0)),
            pl.BlockSpec((1, 32), full),
        ],
        out_shape=[
            jax.ShapeDtypeStruct((N, 2 * D), jnp.float32),
            jax.ShapeDtypeStruct((1, 32), jnp.float32),
        ],
    )(nft, W_node, b_node[:, None], wcat, bcat,
      numerical, W_num0, b_num0[None, :], W_num1, b_num1[None, :])

    eidx = edge_index[0].T.reshape(IDXROWS, 128)
    h_edges4, psums = _sc_edges(g_tab, eidx)

    state_policy = h_edges4.reshape(1, E, D) * edge_mask[:, :, None].astype(jnp.float32)

    h_mean = psums[:, :D].sum(axis=0, keepdims=True) * (1.0 / E)
    state_value = jnp.concatenate([h_num, h_mean, stage], axis=-1)
    return (state_policy, state_value, edge_mask, stage)

# --- scband reference (transcript-rebuilt; emitter-appended) ---
"""Pipeline reference for scband-gnn2-state-encoder-38139309588793 (READ-ONLY COPY).

The authoritative reference and input builder live on the scoring server;
editing this copy changes nothing except your own understanding.
"""

import jax, jax.numpy as jnp
import numpy as np

B = 1
N = 50000
E = 800000
D = 32
NUMF = 64
H0 = 64
H1 = 32


def setup_inputs(seed: int = 0) -> dict:
    key = jax.random.key(seed)
    ks = jax.random.split(key, 16)
    numerical = jax.random.normal(ks[0], (B, NUMF), dtype=jnp.float32)
    node_feature = jax.random.normal(ks[1], (B, N, D), dtype=jnp.float32)
    edge_feature = jax.random.normal(ks[2], (B, E, 4), dtype=jnp.float32)
    edge_index = jax.random.randint(ks[3], (B, E, 2), 0, N, dtype=jnp.int32)
    edge_mask = jnp.ones((B, E), dtype=bool)
    stage = jax.random.normal(ks[4], (B, 2), dtype=jnp.float32)
    W_num0 = jax.random.normal(ks[5], (NUMF, H0), dtype=jnp.float32) / np.sqrt(NUMF)
    b_num0 = jnp.zeros((H0,), dtype=jnp.float32)
    W_num1 = jax.random.normal(ks[6], (H0, H1), dtype=jnp.float32) / np.sqrt(H0)
    b_num1 = jnp.zeros((H1,), dtype=jnp.float32)
    W_node = jax.random.normal(ks[7], (D, D), dtype=jnp.float32) / np.sqrt(D)
    b_node = jnp.zeros((D,), dtype=jnp.float32)
    W_edge = jax.random.normal(ks[8], (2 * D, D), dtype=jnp.float32) / np.sqrt(2 * D)
    b_edge = jnp.zeros((D,), dtype=jnp.float32)
    return dict(numerical=numerical, node_feature=node_feature, edge_feature=edge_feature,
                edge_index=edge_index, edge_mask=edge_mask, stage=stage,
                W_num0=W_num0, b_num0=b_num0, W_num1=W_num1, b_num1=b_num1,
                W_node=W_node, b_node=b_node, W_edge=W_edge, b_edge=b_edge)


def reference(numerical, node_feature, edge_feature, edge_index, edge_mask, stage,
              W_num0, b_num0, W_num1, b_num1, W_node, b_node, W_edge, b_edge):
    # numerical feature encoder: Flatten -> Linear -> Tanh -> Linear -> Tanh
    h_num = jnp.tanh(numerical.reshape(numerical.shape[0], -1) @ W_num0 + b_num0)
    h_num = jnp.tanh(h_num @ W_num1 + b_num1)
    # node encoder: Linear -> Tanh
    h_nodes = jnp.tanh(node_feature @ W_node + b_node)
    # gather_to_edges with symmetric edge fc
    idx0 = edge_index[:, :, 0][:, :, None]
    idx1 = edge_index[:, :, 1][:, :, None]
    h_e1 = jnp.take_along_axis(h_nodes, idx0, axis=1)
    h_e2 = jnp.take_along_axis(h_nodes, idx1, axis=1)
    h_12 = jnp.concatenate([h_e1, h_e2], axis=-1)
    h_21 = jnp.concatenate([h_e2, h_e1], axis=-1)
    ef = lambda h: jnp.tanh(h @ W_edge + b_edge)
    h_edges = (ef(h_12) + ef(h_21)) / 2.0
    mask3 = jnp.broadcast_to(edge_mask[:, :, None], h_edges.shape)
    h_edges = jnp.where(mask3, h_edges, jnp.zeros_like(h_edges))
    # mean_features over edges with mask
    maskf = edge_mask[:, :, None].astype(jnp.float32)
    h_mean = (h_edges * maskf).sum(axis=1) / edge_mask.astype(jnp.float32).sum(axis=1, keepdims=True)
    state_value = jnp.concatenate([h_num, h_mean, stage], axis=-1)
    state_policy = h_edges
    return (state_policy, state_value, edge_mask, stage)

if __name__ == "__main__":
    import jax
    _d = setup_inputs()
    print(jax.jit(kernel)(*tuple(_d.values())))

</pallas_src>

<mosaic_0001>
#map = affine_map<(d0, d1) -> (0, 0)>
module attributes {stable_mosaic.version = 14 : i64} {
  func.func @_sc_body(%arg0: i32, %arg1: i32, %arg2: memref<50000x64xf32, #tpu.memory_space<hbm>>, %arg3: memref<12500x128xi32, #tpu.memory_space<hbm>>, %arg4: memref<200000x128xf32, #tpu.memory_space<hbm>>, %arg5: memref<32x128xf32, #tpu.memory_space<hbm>>, %arg6: memref<16x128xi32, #tpu.memory_space<vmem>>, %arg7: memref<16x128xi32, #tpu.memory_space<vmem>>, %arg8: memref<2x256x64xf32, #tpu.memory_space<vmem>>, %arg9: memref<2x32x128xf32, #tpu.memory_space<vmem>>, %arg10: memref<128xf32, #tpu.memory_space<vmem>>, %arg11: memref<!tpu.dma_semaphore, #tpu.memory_space<semaphore_mem>>, %arg12: memref<!tpu.dma_semaphore, #tpu.memory_space<semaphore_mem>>) attributes {dimension_semantics = [#tpu.dimension_semantics<core_parallel>, #tpu.dimension_semantics<subcore_parallel>], iteration_bounds = array<i64: 2, 16>, scalar_prefetch = 0 : i64, scratch_operands = 7 : i64, tpu.core_type = #tpu.core_type<sc_vector_subcore>, window_params = [{transform_indices = #map}, {transform_indices = #map}, {transform_indices = #map}, {transform_indices = #map}]} {
    %mul3A = arith.constant 16 : i32
    %mul3A_0 = arith.muli %arg0, %mul3A : i32
    %add3A = arith.addi %mul3A_0, %arg1 : i32
    %mul3A_1 = arith.constant 195 : i32
    %mul3A_2 = arith.muli %add3A, %mul3A_1 : i32
    %min3A = arith.constant 10 : i32
    %min3A_3 = arith.minsi %add3A, %min3A : i32
    %add3A_4 = arith.addi %mul3A_2, %min3A_3 : i32
    %lt3A = arith.constant 10 : i32
    %lt3A_5 = arith.cmpi slt, %add3A, %lt3A : i32
    %convert_element_type3A = arith.extui %lt3A_5 : i1 to i32
    %add3A_6 = arith.constant 195 : i32
    %add3A_7 = arith.addi %add3A_6, %convert_element_type3A : i32
    %mul3A_8 = arith.constant 32 : i32
    %mul3A_9 = arith.muli %add3A_4, %mul3A_8 : i32
    %add3A_10 = arith.constant 0 : i32
    %add3A_11 = arith.addi %add3A_4, %add3A_10 : i32
    %min3A_12 = arith.constant 6234 : i32
    %min3A_13 = arith.minsi %add3A_11, %min3A_12 : i32
    "tpu.region"() ({
      %run_scoped3A = tpu.sem_alloc : memref<!tpu.dma_semaphore, #tpu.memory_space<semaphore_mem>>
      %dma_start3A_124 = arith.constant 0 : i32
      %dma_start3A_125 = tpu.memref_slice %arg3[%min3A_13, %dma_start3A_124] : memref<12500x128xi32, #tpu.memory_space<hbm>> -> memref<16x128xi32, #tpu.memory_space<hbm>>
      %dma_start3A_126 = arith.constant 0 : i32
      %dma_start3A_127 = tpu.memref_slice %arg3[%min3A_13, %dma_start3A_126] : memref<12500x128xi32, #tpu.memory_space<hbm>> -> memref<16x128xi32, #tpu.memory_space<hbm>>
      tpu.enqueue_dma source(%dma_start3A_127 : memref<16x128xi32, #tpu.memory_space<hbm>>) target(%arg6 : memref<16x128xi32, #tpu.memory_space<vmem>>) target_semaphore(%run_scoped3A : memref<!tpu.dma_semaphore, #tpu.memory_space<semaphore_mem>>)
      %dma_wait3A_128 = arith.constant 0 : i32
      %dma_wait3A_129 = tpu.memref_slice %arg3[%min3A_13, %dma_wait3A_128] : memref<12500x128xi32, #tpu.memory_space<hbm>> -> memref<16x128xi32, #tpu.memory_space<hbm>>
      %dma_wait3A_130 = arith.constant 0 : i32
      %dma_wait3A_131 = tpu.memref_slice %arg3[%min3A_13, %dma_wait3A_130] : memref<12500x128xi32, #tpu.memory_space<hbm>> -> memref<16x128xi32, #tpu.memory_space<hbm>>
      tpu.wait_dma2 semaphore(%run_scoped3A : memref<!tpu.dma_semaphore, #tpu.memory_space<semaphore_mem>>) src(%dma_wait3A_131 : memref<16x128xi32, #tpu.memory_space<hbm>>) dst(%arg6 : memref<16x128xi32, #tpu.memory_space<vmem>>)
      tpu.yield
    }) : () -> ()
    %add3A_14 = arith.constant 6250 : i32
    %add3A_15 = arith.addi %add3A_14, %min3A_13 : i32
    "tpu.region"() ({
      %run_scoped3A = tpu.sem_alloc : memref<!tpu.dma_semaphore, #tpu.memory_space<semaphore_mem>>
      %dma_start3A_124 = arith.constant 0 : i32
      %dma_start3A_125 = tpu.memref_slice %arg3[%add3A_15, %dma_start3A_124] : memref<12500x128xi32, #tpu.memory_space<hbm>> -> memref<16x128xi32, #tpu.memory_space<hbm>>
      %dma_start3A_126 = arith.constant 0 : i32
      %dma_start3A_127 = tpu.memref_slice %arg3[%add3A_15, %dma_start3A_126] : memref<12500x128xi32, #tpu.memory_space<hbm>> -> memref<16x128xi32, #tpu.memory_space<hbm>>
      tpu.enqueue_dma source(%dma_start3A_127 : memref<16x128xi32, #tpu.memory_space<hbm>>) target(%arg7 : memref<16x128xi32, #tpu.memory_space<vmem>>) target_semaphore(%run_scoped3A : memref<!tpu.dma_semaphore, #tpu.memory_space<semaphore_mem>>)
      %dma_wait3A_128 = arith.constant 0 : i32
      %dma_wait3A_129 = tpu.memref_slice %arg3[%add3A_15, %dma_wait3A_128] : memref<12500x128xi32, #tpu.memory_space<hbm>> -> memref<16x128xi32, #tpu.memory_space<hbm>>
      %dma_wait3A_130 = arith.constant 0 : i32
      %dma_wait3A_131 = tpu.memref_slice %arg3[%add3A_15, %dma_wait3A_130] : memref<12500x128xi32, #tpu.memory_space<hbm>> -> memref<16x128xi32, #tpu.memory_space<hbm>>
      tpu.wait_dma2 semaphore(%run_scoped3A : memref<!tpu.dma_semaphore, #tpu.memory_space<semaphore_mem>>) src(%dma_wait3A_131 : memref<16x128xi32, #tpu.memory_space<hbm>>) dst(%arg7 : memref<16x128xi32, #tpu.memory_space<vmem>>)
      tpu.yield
    }) : () -> ()
    %add3A_16 = arith.constant 0 : i32
    %add3A_17 = arith.addi %add3A_4, %add3A_16 : i32
    %add3A_18 = arith.constant 0 : i32
    %add3A_19 = arith.addi %add3A_4, %add3A_18 : i32
    %min3A_20 = arith.constant 6234 : i32
    %min3A_21 = arith.minsi %add3A_19, %min3A_20 : i32
    %sub3A = arith.subi %add3A_17, %min3A_21 : i32
    %dma_start3A = arith.constant 0 : i32
    %dma_start3A_22 = arith.constant 0 : i32
    %dma_start3A_23 = arith.constant 0 : i32
    %dma_start3A_24 = tpu.memref_slice %arg8[%dma_start3A, %dma_start3A_22, %dma_start3A_23] : memref<2x256x64xf32, #tpu.memory_space<vmem>> -> memref<1x256x64xf32, #tpu.memory_space<vmem>>
    %dma_start3A_25 = tpu.memref_squeeze %dma_start3A_24 : memref<1x256x64xf32, #tpu.memory_space<vmem>> -> memref<256x64xf32, #tpu.memory_space<vmem>>
    %dma_start3A_26 = arith.constant 0 : i32
    %dma_start3A_27 = arith.constant 0 : i32
    %dma_start3A_28 = tpu.memref_slice %dma_start3A_25[%dma_start3A_26, %dma_start3A_27] : memref<256x64xf32, #tpu.memory_space<vmem>> -> memref<128x64xf32, #tpu.memory_space<vmem>>
    %dma_start3A_29 = arith.constant 0 : i32
    %dma_start3A_30 = tpu.memref_slice %arg6[%sub3A, %dma_start3A_29] : memref<16x128xi32, #tpu.memory_space<vmem>> -> memref<1x128xi32, #tpu.memory_space<vmem>>
    %dma_start3A_31 = tpu.memref_squeeze %dma_start3A_30 : memref<1x128xi32, #tpu.memory_space<vmem>> -> memref<128xi32, #tpu.memory_space<vmem>>
    %dma_start3A_32 = arith.constant 0 : i32
    %dma_start3A_33 = arith.constant 0 : i32
    %dma_start3A_34 = tpu.memref_slice %arg2[%dma_start3A_32, %dma_start3A_33] : memref<50000x64xf32, #tpu.memory_space<hbm>> -> memref<50000x64xf32, #tpu.memory_space<hbm>>
    tpu.enqueue_indirect_dma source(%dma_start3A_34 : memref<50000x64xf32, #tpu.memory_space<hbm>>) target(%dma_start3A_28 : memref<128x64xf32, #tpu.memory_space<vmem>>) offsets(%dma_start3A_31 : memref<128xi32, #tpu.memory_space<vmem>>) semaphore(%arg11 : memref<!tpu.dma_semaphore, #tpu.memory_space<semaphore_mem>>)
    %dma_start3A_35 = arith.constant 0 : i32
    %dma_start3A_36 = arith.constant 0 : i32
    %dma_start3A_37 = arith.constant 0 : i32
    %dma_start3A_38 = tpu.memref_slice %arg8[%dma_start3A_35, %dma_start3A_36, %dma_start3A_37] : memref<2x256x64xf32, #tpu.memory_space<vmem>> -> memref<1x256x64xf32, #tpu.memory_space<vmem>>
    %dma_start3A_39 = tpu.memref_squeeze %dma_start3A_38 : memref<1x256x64xf32, #tpu.memory_space<vmem>> -> memref<256x64xf32, #tpu.memory_space<vmem>>
    %dma_start3A_40 = arith.constant 128 : i32
    %dma_start3A_41 = arith.constant 0 : i32
    %dma_start3A_42 = tpu.memref_slice %dma_start3A_39[%dma_start3A_40, %dma_start3A_41] : memref<256x64xf32, #tpu.memory_space<vmem>> -> memref<128x64xf32, #tpu.memory_space<vmem>>
    %dma_start3A_43 = arith.constant 0 : i32
    %dma_start3A_44 = tpu.memref_slice %arg7[%sub3A, %dma_start3A_43] : memref<16x128xi32, #tpu.memory_space<vmem>> -> memref<1x128xi32, #tpu.memory_space<vmem>>
    %dma_start3A_45 = tpu.memref_squeeze %dma_start3A_44 : memref<1x128xi32, #tpu.memory_space<vmem>> -> memref<128xi32, #tpu.memory_space<vmem>>
    %dma_start3A_46 = arith.constant 0 : i32
    %dma_start3A_47 = arith.constant 0 : i32
    %dma_start3A_48 = tpu.memref_slice %arg2[%dma_start3A_46, %dma_start3A_47] : memref<50000x64xf32, #tpu.memory_space<hbm>> -> memref<50000x64xf32, #tpu.memory_space<hbm>>
    tpu.enqueue_indirect_dma source(%dma_start3A_48 : memref<50000x64xf32, #tpu.memory_space<hbm>>) target(%dma_start3A_42 : memref<128x64xf32, #tpu.memory_space<vmem>>) offsets(%dma_start3A_45 : memref<128xi32, #tpu.memory_space<vmem>>) semaphore(%arg11 : memref<!tpu.dma_semaphore, #tpu.memory_space<semaphore_mem>>)
    %broadcast_in_dim3A = arith.constant 0.000000e+00 : f32
    %broadcast_in_dim3A_49 = vector.broadcast %broadcast_in_dim3A : f32 to vector<16xf32>
    %broadcast_in_dim3A_50 = arith.constant 0.000000e+00 : f32
    %broadcast_in_dim3A_51 = vector.broadcast %broadcast_in_dim3A_50 : f32 to vector<16xf32>
    %while3A = arith.constant 0 : i32
    %while3A_52 = arith.subi %add3A_7, %while3A : i32
    %while3A_53 = arith.addi %while3A, %while3A_52 : i32
    %while3A_54 = arith.constant 1 : i32
    %while3A_55 = arith.divsi %while3A_52, %while3A_54 : i32
    %while3A_56 = arith.muli %while3A_55, %while3A_54 : i32
    %while3A_57 = arith.addi %while3A, %while3A_56 : i32
    %while3A_58 = arith.constant 1 : i32
    %while3A_59:2 = scf.for %while3A_124 = %while3A to %while3A_57 step %while3A_58 iter_args(%while3A_125 = %broadcast_in_dim3A_49, %while3A_126 = %broadcast_in_dim3A_51) -> (vector<16xf32>, vector<16xf32>)  : i32 {
      %jit3A = arith.constant 2 : i32
      %eq3A = arith.constant 0 : i32
      %eq3A_127 = arith.cmpi eq, %jit3A, %eq3A : i32
      %jit3A_128 = arith.constant 1 : i32
      %select_n3A = arith.select %eq3A_127, %jit3A_128, %jit3A : i32
      %rem3A = arith.remsi %while3A_124, %select_n3A : i32
      %ne3A = arith.constant 0 : i32
      %ne3A_129 = arith.cmpi ne, %rem3A, %ne3A : i32
      %lt3A_130 = arith.constant 0 : i32
      %lt3A_131 = arith.cmpi slt, %rem3A, %lt3A_130 : i32
      %lt3A_132 = arith.constant 0 : i32
      %lt3A_133 = arith.cmpi slt, %select_n3A, %lt3A_132 : i32
      %ne3A_134 = arith.xori %lt3A_131, %lt3A_133 : i1
      %and3A = arith.andi %ne3A_134, %ne3A_129 : i1
      %add3A_135 = arith.addi %rem3A, %select_n3A : i32
      %select_n3A_136 = arith.select %and3A, %add3A_135, %rem3A : i32
      %add3A_137 = arith.addi %add3A_4, %while3A_124 : i32
      %jit3A_138 = arith.constant 16 : i32
      %div3A = arith.divsi %while3A_124, %jit3A_138 : i32
      %sign3A = arith.constant 0 : i32
      %sign3A_139 = arith.cmpi sgt, %while3A_124, %sign3A : i32
      %sign3A_140 = arith.extui %sign3A_139 : i1 to i32
      %sign3A_141 = arith.constant 0 : i32
      %sign3A_142 = arith.cmpi slt, %while3A_124, %sign3A_141 : i32
      %sign3A_143 = arith.extui %sign3A_142 : i1 to i32
      %sign3A_144 = arith.subi %sign3A_140, %sign3A_143 : i32
      %sign3A_145 = arith.constant 0 : i32
      %sign3A_146 = arith.cmpi sgt, %jit3A_138, %sign3A_145 : i32
      %sign3A_147 = arith.extui %sign3A_146 : i1 to i32
      %sign3A_148 = arith.constant 0 : i32
      %sign3A_149 = arith.cmpi slt, %jit3A_138, %sign3A_148 : i32
      %sign3A_150 = arith.extui %sign3A_149 : i1 to i32
      %sign3A_151 = arith.subi %sign3A_147, %sign3A_150 : i32
      %ne3A_152 = arith.cmpi ne, %sign3A_144, %sign3A_151 : i32
      %rem3A_153 = arith.remsi %while3A_124, %jit3A_138 : i32
      %ne3A_154 = arith.constant 0 : i32
      %ne3A_155 = arith.cmpi ne, %rem3A_153, %ne3A_154 : i32
      %and3A_156 = arith.andi %ne3A_152, %ne3A_155 : i1
      %sub3A_157 = arith.constant 1 : i32
      %sub3A_158 = arith.subi %div3A, %sub3A_157 : i32
      %select_n3A_159 = arith.select %and3A_156, %sub3A_158, %div3A : i32
      %mul3A_160 = arith.constant 16 : i32
      %mul3A_161 = arith.muli %select_n3A_159, %mul3A_160 : i32
      %add3A_162 = arith.addi %add3A_4, %mul3A_161 : i32
      %min3A_163 = arith.constant 6234 : i32
      %min3A_164 = arith.minsi %add3A_162, %min3A_163 : i32
      %sub3A_165 = arith.subi %add3A_137, %min3A_164 : i32
      %dma_wait3A_166 = arith.constant 0 : i32
      %dma_wait3A_167 = arith.constant 0 : i32
      %dma_wait3A_168 = tpu.memref_slice %arg8[%select_n3A_136, %dma_wait3A_166, %dma_wait3A_167] : memref<2x256x64xf32, #tpu.memory_space<vmem>> -> memref<1x256x64xf32, #tpu.memory_space<vmem>>
      %dma_wait3A_169 = tpu.memref_squeeze %dma_wait3A_168 : memref<1x256x64xf32, #tpu.memory_space<vmem>> -> memref<256x64xf32, #tpu.memory_space<vmem>>
      %dma_wait3A_170 = arith.constant 0 : i32
      %dma_wait3A_171 = arith.constant 0 : i32
      %dma_wait3A_172 = tpu.memref_slice %dma_wait3A_169[%dma_wait3A_170, %dma_wait3A_171] : memref<256x64xf32, #tpu.memory_space<vmem>> -> memref<128x64xf32, #tpu.memory_space<vmem>>
      %dma_wait3A_173 = arith.constant 0 : i32
      %dma_wait3A_174 = tpu.memref_slice %arg6[%sub3A_165, %dma_wait3A_173] : memref<16x128xi32, #tpu.memory_space<vmem>> -> memref<1x128xi32, #tpu.memory_space<vmem>>
      %dma_wait3A_175 = tpu.memref_squeeze %dma_wait3A_174 : memref<1x128xi32, #tpu.memory_space<vmem>> -> memref<128xi32, #tpu.memory_space<vmem>>
      %dma_wait3A_176 = arith.constant 0 : i32
      %dma_wait3A_177 = arith.constant 0 : i32
      %dma_wait3A_178 = tpu.memref_slice %arg2[%dma_wait3A_176, %dma_wait3A_177] : memref<50000x64xf32, #tpu.memory_space<hbm>> -> memref<50000x64xf32, #tpu.memory_space<hbm>>
      tpu.wait_indirect_dma semaphore(%arg11 : memref<!tpu.dma_semaphore, #tpu.memory_space<semaphore_mem>>) src(%dma_wait3A_178 : memref<50000x64xf32, #tpu.memory_space<hbm>>) dst(%dma_wait3A_172 : memref<128x64xf32, #tpu.memory_space<vmem>>)
      %dma_wait3A_179 = arith.constant 0 : i32
      %dma_wait3A_180 = arith.constant 0 : i32
      %dma_wait3A_181 = tpu.memref_slice %arg8[%select_n3A_136, %dma_wait3A_179, %dma_wait3A_180] : memref<2x256x64xf32, #tpu.memory_space<vmem>> -> memref<1x256x64xf32, #tpu.memory_space<vmem>>
      %dma_wait3A_182 = tpu.memref_squeeze %dma_wait3A_181 : memref<1x256x64xf32, #tpu.memory_space<vmem>> -> memref<256x64xf32, #tpu.memory_space<vmem>>
      %dma_wait3A_183 = arith.constant 128 : i32
      %dma_wait3A_184 = arith.constant 0 : i32
      %dma_wait3A_185 = tpu.memref_slice %dma_wait3A_182[%dma_wait3A_183, %dma_wait3A_184] : memref<256x64xf32, #tpu.memory_space<vmem>> -> memref<128x64xf32, #tpu.memory_space<vmem>>
      %dma_wait3A_186 = arith.constant 0 : i32
      %dma_wait3A_187 = tpu.memref_slice %arg7[%sub3A_165, %dma_wait3A_186] : memref<16x128xi32, #tpu.memory_space<vmem>> -> memref<1x128xi32, #tpu.memory_space<vmem>>
      %dma_wait3A_188 = tpu.memref_squeeze %dma_wait3A_187 : memref<1x128xi32, #tpu.memory_space<vmem>> -> memref<128xi32, #tpu.memory_space<vmem>>
      %dma_wait3A_189 = arith.constant 0 : i32
      %dma_wait3A_190 = arith.constant 0 : i32
      %dma_wait3A_191 = tpu.memref_slice %arg2[%dma_wait3A_189, %dma_wait3A_190] : memref<50000x64xf32, #tpu.memory_space<hbm>> -> memref<50000x64xf32, #tpu.memory_space<hbm>>
      tpu.wait_indirect_dma semaphore(%arg11 : memref<!tpu.dma_semaphore, #tpu.memory_space<semaphore_mem>>) src(%dma_wait3A_191 : memref<50000x64xf32, #tpu.memory_space<hbm>>) dst(%dma_wait3A_185 : memref<128x64xf32, #tpu.memory_space<vmem>>)
      %add3A_192 = arith.constant 1 : i32
      %add3A_193 = arith.addi %while3A_124, %add3A_192 : i32
      %lt3A_194 = arith.cmpi slt, %add3A_193, %add3A_7 : i32
      %convert_element_type3A_195 = arith.extui %lt3A_194 : i1 to i32
      %cond3A = arith.constant 0 : i32
      %cond3A_196 = arith.cmpi ne, %convert_element_type3A_195, %cond3A : i32
      scf.if %cond3A_196 {
        %add3A_219 = arith.constant 1 : i32
        %add3A_220 = arith.addi %while3A_124, %add3A_219 : i32
        %jit3A_221 = arith.constant 16 : i32
        %eq3A_222 = arith.constant 0 : i32
        %eq3A_223 = arith.cmpi eq, %jit3A_221, %eq3A_222 : i32
        %jit3A_224 = arith.constant 1 : i32
        %select_n3A_225 = arith.select %eq3A_223, %jit3A_224, %jit3A_221 : i32
        %rem3A_226 = arith.remsi %add3A_220, %select_n3A_225 : i32
        %ne3A_227 = arith.constant 0 : i32
        %ne3A_228 = arith.cmpi ne, %rem3A_226, %ne3A_227 : i32
        %lt3A_229 = arith.constant 0 : i32
        %lt3A_230 = arith.cmpi slt, %rem3A_226, %lt3A_229 : i32
        %lt3A_231 = arith.constant 0 : i32
        %lt3A_232 = arith.cmpi slt, %select_n3A_225, %lt3A_231 : i32
        %ne3A_233 = arith.xori %lt3A_230, %lt3A_232 : i1
        %and3A_234 = arith.andi %ne3A_233, %ne3A_228 : i1
        %add3A_235 = arith.addi %rem3A_226, %select_n3A_225 : i32
        %select_n3A_236 = arith.select %and3A_234, %add3A_235, %rem3A_226 : i32
        %eq3A_237 = arith.constant 0 : i32
        %eq3A_238 = arith.cmpi eq, %select_n3A_236, %eq3A_237 : i32
        %convert_element_type3A_239 = arith.extui %eq3A_238 : i1 to i32
        %cond3A_240 = arith.constant 0 : i32
        %cond3A_241 = arith.cmpi ne, %convert_element_type3A_239, %cond3A_240 : i32
        scf.if %cond3A_241 {
          %add3A_303 = arith.constant 1 : i32
          %add3A_304 = arith.addi %while3A_124, %add3A_303 : i32
          %jit3A_305 = arith.constant 16 : i32
          %div3A_306 = arith.divsi %add3A_304, %jit3A_305 : i32
          %sign3A_307 = arith.constant 0 : i32
          %sign3A_308 = arith.cmpi sgt, %add3A_304, %sign3A_307 : i32
          %sign3A_309 = arith.extui %sign3A_308 : i1 to i32
          %sign3A_310 = arith.constant 0 : i32
          %sign3A_311 = arith.cmpi slt, %add3A_304, %sign3A_310 : i32
          %sign3A_312 = arith.extui %sign3A_311 : i1 to i32
          %sign3A_313 = arith.subi %sign3A_309, %sign3A_312 : i32
          %sign3A_314 = arith.constant 0 : i32
          %sign3A_315 = arith.cmpi sgt, %jit3A_305, %sign3A_314 : i32
          %sign3A_316 = arith.extui %sign3A_315 : i1 to i32
          %sign3A_317 = arith.constant 0 : i32
          %sign3A_318 = arith.cmpi slt, %jit3A_305, %sign3A_317 : i32
          %sign3A_319 = arith.extui %sign3A_318 : i1 to i32
          %sign3A_320 = arith.subi %sign3A_316, %sign3A_319 : i32
          %ne3A_321 = arith.cmpi ne, %sign3A_313, %sign3A_320 : i32
          %rem3A_322 = arith.remsi %add3A_304, %jit3A_305 : i32
          %ne3A_323 = arith.constant 0 : i32
          %ne3A_324 = arith.cmpi ne, %rem3A_322, %ne3A_323 : i32
          %and3A_325 = arith.andi %ne3A_321, %ne3A_324 : i1
          %sub3A_326 = arith.constant 1 : i32
          %sub3A_327 = arith.subi %div3A_306, %sub3A_326 : i32
          %select_n3A_328 = arith.select %and3A_325, %sub3A_327, %div3A_306 : i32
          %mul3A_329 = arith.constant 16 : i32
          %mul3A_330 = arith.muli %select_n3A_328, %mul3A_329 : i32
          %add3A_331 = arith.addi %add3A_4, %mul3A_330 : i32
          %min3A_332 = arith.constant 6234 : i32
          %min3A_333 = arith.minsi %add3A_331, %min3A_332 : i32
          "tpu.region"() ({
            %run_scoped3A = tpu.sem_alloc : memref<!tpu.dma_semaphore, #tpu.memory_space<semaphore_mem>>
            %dma_start3A_336 = arith.constant 0 : i32
            %dma_start3A_337 = tpu.memref_slice %arg3[%min3A_333, %dma_start3A_336] : memref<12500x128xi32, #tpu.memory_space<hbm>> -> memref<16x128xi32, #tpu.memory_space<hbm>>
            %dma_start3A_338 = arith.constant 0 : i32
            %dma_start3A_339 = tpu.memref_slice %arg3[%min3A_333, %dma_start3A_338] : memref<12500x128xi32, #tpu.memory_space<hbm>> -> memref<16x128xi32, #tpu.memory_space<hbm>>
            tpu.enqueue_dma source(%dma_start3A_339 : memref<16x128xi32, #tpu.memory_space<hbm>>) target(%arg6 : memref<16x128xi32, #tpu.memory_space<vmem>>) target_semaphore(%run_scoped3A : memref<!tpu.dma_semaphore, #tpu.memory_space<semaphore_mem>>)
            %dma_wait3A_340 = arith.constant 0 : i32
            %dma_wait3A_341 = tpu.memref_slice %arg3[%min3A_333, %dma_wait3A_340] : memref<12500x128xi32, #tpu.memory_space<hbm>> -> memref<16x128xi32, #tpu.memory_space<hbm>>
            %dma_wait3A_342 = arith.constant 0 : i32
            %dma_wait3A_343 = tpu.memref_slice %arg3[%min3A_333, %dma_wait3A_342] : memref<12500x128xi32, #tpu.memory_space<hbm>> -> memref<16x128xi32, #tpu.memory_space<hbm>>
            tpu.wait_dma2 semaphore(%run_scoped3A : memref<!tpu.dma_semaphore, #tpu.memory_space<semaphore_mem>>) src(%dma_wait3A_343 : memref<16x128xi32, #tpu.memory_space<hbm>>) dst(%arg6 : memref<16x128xi32, #tpu.memory_space<vmem>>)
            tpu.yield
          }) : () -> ()
          %add3A_334 = arith.constant 6250 : i32
          %add3A_335 = arith.addi %add3A_334, %min3A_333 : i32
          "tpu.region"() ({
            %run_scoped3A = tpu.sem_alloc : memref<!tpu.dma_semaphore, #tpu.memory_space<semaphore_mem>>
            %dma_start3A_336 = arith.constant 0 : i32
            %dma_start3A_337 = tpu.memref_slice %arg3[%add3A_335, %dma_start3A_336] : memref<12500x128xi32, #tpu.memory_space<hbm>> -> memref<16x128xi32, #tpu.memory_space<hbm>>
            %dma_start3A_338 = arith.constant 0 : i32
            %dma_start3A_339 = tpu.memref_slice %arg3[%add3A_335, %dma_start3A_338] : memref<12500x128xi32, #tpu.memory_space<hbm>> -> memref<16x128xi32, #tpu.memory_space<hbm>>
            tpu.enqueue_dma source(%dma_start3A_339 : memref<16x128xi32, #tpu.memory_space<hbm>>) target(%arg7 : memref<16x128xi32, #tpu.memory_space<vmem>>) target_semaphore(%run_scoped3A : memref<!tpu.dma_semaphore, #tpu.memory_space<semaphore_mem>>)
            %dma_wait3A_340 = arith.constant 0 : i32
            %dma_wait3A_341 = tpu.memref_slice %arg3[%add3A_335, %dma_wait3A_340] : memref<12500x128xi32, #tpu.memory_space<hbm>> -> memref<16x128xi32, #tpu.memory_space<hbm>>
            %dma_wait3A_342 = arith.constant 0 : i32
            %dma_wait3A_343 = tpu.memref_slice %arg3[%add3A_335, %dma_wait3A_342] : memref<12500x128xi32, #tpu.memory_space<hbm>> -> memref<16x128xi32, #tpu.memory_space<hbm>>
            tpu.wait_dma2 semaphore(%run_scoped3A : memref<!tpu.dma_semaphore, #tpu.memory_space<semaphore_mem>>) src(%dma_wait3A_343 : memref<16x128xi32, #tpu.memory_space<hbm>>) dst(%arg7 : memref<16x128xi32, #tpu.memory_space<vmem>>)
            tpu.yield
          }) : () -> ()
        } else {
        }
        %add3A_242 = arith.constant 1 : i32
        %add3A_243 = arith.addi %while3A_124, %add3A_242 : i32
        %sub3A_244 = arith.constant 1 : i32
        %sub3A_245 = arith.subi %sub3A_244, %select_n3A_136 : i32
        %add3A_246 = arith.addi %add3A_4, %add3A_243 : i32
        %jit3A_247 = arith.constant 16 : i32
        %div3A_248 = arith.divsi %add3A_243, %jit3A_247 : i32
        %sign3A_249 = arith.constant 0 : i32
        %sign3A_250 = arith.cmpi sgt, %add3A_243, %sign3A_249 : i32
        %sign3A_251 = arith.extui %sign3A_250 : i1 to i32
        %sign3A_252 = arith.constant 0 : i32
        %sign3A_253 = arith.cmpi slt, %add3A_243, %sign3A_252 : i32
        %sign3A_254 = arith.extui %sign3A_253 : i1 to i32
        %sign3A_255 = arith.subi %sign3A_251, %sign3A_254 : i32
        %sign3A_256 = arith.constant 0 : i32
        %sign3A_257 = arith.cmpi sgt, %jit3A_247, %sign3A_256 : i32
        %sign3A_258 = arith.extui %sign3A_257 : i1 to i32
        %sign3A_259 = arith.constant 0 : i32
        %sign3A_260 = arith.cmpi slt, %jit3A_247, %sign3A_259 : i32
        %sign3A_261 = arith.extui %sign3A_260 : i1 to i32
        %sign3A_262 = arith.subi %sign3A_258, %sign3A_261 : i32
        %ne3A_263 = arith.cmpi ne, %sign3A_255, %sign3A_262 : i32
        %rem3A_264 = arith.remsi %add3A_243, %jit3A_247 : i32
        %ne3A_265 = arith.constant 0 : i32
        %ne3A_266 = arith.cmpi ne, %rem3A_264, %ne3A_265 : i32
        %and3A_267 = arith.andi %ne3A_263, %ne3A_266 : i1
        %sub3A_268 = arith.constant 1 : i32
        %sub3A_269 = arith.subi %div3A_248, %sub3A_268 : i32
        %select_n3A_270 = arith.select %and3A_267, %sub3A_269, %div3A_248 : i32
        %mul3A_271 = arith.constant 16 : i32
        %mul3A_272 = arith.muli %select_n3A_270, %mul3A_271 : i32
        %add3A_273 = arith.addi %add3A_4, %mul3A_272 : i32
        %min3A_274 = arith.constant 6234 : i32
        %min3A_275 = arith.minsi %add3A_273, %min3A_274 : i32
        %sub3A_276 = arith.subi %add3A_246, %min3A_275 : i32
        %dma_start3A_277 = arith.constant 0 : i32
        %dma_start3A_278 = arith.constant 0 : i32
        %dma_start3A_279 = tpu.memref_slice %arg8[%sub3A_245, %dma_start3A_277, %dma_start3A_278] : memref<2x256x64xf32, #tpu.memory_space<vmem>> -> memref<1x256x64xf32, #tpu.memory_space<vmem>>
        %dma_start3A_280 = tpu.memref_squeeze %dma_start3A_279 : memref<1x256x64xf32, #tpu.memory_space<vmem>> -> memref<256x64xf32, #tpu.memory_space<vmem>>
        %dma_start3A_281 = arith.constant 0 : i32
        %dma_start3A_282 = arith.constant 0 : i32
        %dma_start3A_283 = tpu.memref_slice %dma_start3A_280[%dma_start3A_281, %dma_start3A_282] : memref<256x64xf32, #tpu.memory_space<vmem>> -> memref<128x64xf32, #tpu.memory_space<vmem>>
        %dma_start3A_284 = arith.constant 0 : i32
        %dma_start3A_285 = tpu.memref_slice %arg6[%sub3A_276, %dma_start3A_284] : memref<16x128xi32, #tpu.memory_space<vmem>> -> memref<1x128xi32, #tpu.memory_space<vmem>>
        %dma_start3A_286 = tpu.memref_squeeze %dma_start3A_285 : memref<1x128xi32, #tpu.memory_space<vmem>> -> memref<128xi32, #tpu.memory_space<vmem>>
        %dma_start3A_287 = arith.constant 0 : i32
        %dma_start3A_288 = arith.constant 0 : i32
        %dma_start3A_289 = tpu.memref_slice %arg2[%dma_start3A_287, %dma_start3A_288] : memref<50000x64xf32, #tpu.memory_space<hbm>> -> memref<50000x64xf32, #tpu.memory_space<hbm>>
        tpu.enqueue_indirect_dma source(%dma_start3A_289 : memref<50000x64xf32, #tpu.memory_space<hbm>>) target(%dma_start3A_283 : memref<128x64xf32, #tpu.memory_space<vmem>>) offsets(%dma_start3A_286 : memref<128xi32, #tpu.memory_space<vmem>>) semaphore(%arg11 : memref<!tpu.dma_semaphore, #tpu.memory_space<semaphore_mem>>)
        %dma_start3A_290 = arith.constant 0 : i32
        %dma_start3A_291 = arith.constant 0 : i32
        %dma_start3A_292 = tpu.memref_slice %arg8[%sub3A_245, %dma_start3A_290, %dma_start3A_291] : memref<2x256x64xf32, #tpu.memory_space<vmem>> -> memref<1x256x64xf32, #tpu.memory_space<vmem>>
        %dma_start3A_293 = tpu.memref_squeeze %dma_start3A_292 : memref<1x256x64xf32, #tpu.memory_space<vmem>> -> memref<256x64xf32, #tpu.memory_space<vmem>>
        %dma_start3A_294 = arith.constant 128 : i32
        %dma_start3A_295 = arith.constant 0 : i32
        %dma_start3A_296 = tpu.memref_slice %dma_start3A_293[%dma_start3A_294, %dma_start3A_295] : memref<256x64xf32, #tpu.memory_space<vmem>> -> memref<128x64xf32, #tpu.memory_space<vmem>>
        %dma_start3A_297 = arith.constant 0 : i32
        %dma_start3A_298 = tpu.memref_slice %arg7[%sub3A_276, %dma_start3A_297] : memref<16x128xi32, #tpu.memory_space<vmem>> -> memref<1x128xi32, #tpu.memory_space<vmem>>
        %dma_start3A_299 = tpu.memref_squeeze %dma_start3A_298 : memref<1x128xi32, #tpu.memory_space<vmem>> -> memref<128xi32, #tpu.memory_space<vmem>>
        %dma_start3A_300 = arith.constant 0 : i32
        %dma_start3A_301 = arith.constant 0 : i32
        %dma_start3A_302 = tpu.memref_slice %arg2[%dma_start3A_300, %dma_start3A_301] : memref<50000x64xf32, #tpu.memory_space<hbm>> -> memref<50000x64xf32, #tpu.memory_space<hbm>>
        tpu.enqueue_indirect_dma source(%dma_start3A_302 : memref<50000x64xf32, #tpu.memory_space<hbm>>) target(%dma_start3A_296 : memref<128x64xf32, #tpu.memory_space<vmem>>) offsets(%dma_start3A_299 : memref<128xi32, #tpu.memory_space<vmem>>) semaphore(%arg11 : memref<!tpu.dma_semaphore, #tpu.memory_space<semaphore_mem>>)
      } else {
      }
      %ge3A = arith.constant 2 : i32
      %ge3A_197 = arith.cmpi sge, %while3A_124, %ge3A : i32
      %convert_element_type3A_198 = arith.extui %ge3A_197 : i1 to i32
      %cond3A_199 = arith.constant 0 : i32
      %cond3A_200 = arith.cmpi ne, %convert_element_type3A_198, %cond3A_199 : i32
      scf.if %cond3A_200 {
        %dma_wait3A_219 = arith.constant 0 : i32
        %dma_wait3A_220 = arith.constant 0 : i32
        %dma_wait3A_221 = arith.constant 0 : i32
        %dma_wait3A_222 = tpu.memref_slice %arg9[%dma_wait3A_219, %dma_wait3A_220, %dma_wait3A_221] : memref<2x32x128xf32, #tpu.memory_space<vmem>> -> memref<1x32x128xf32, #tpu.memory_space<vmem>>
        %dma_wait3A_223 = tpu.memref_squeeze %dma_wait3A_222 : memref<1x32x128xf32, #tpu.memory_space<vmem>> -> memref<32x128xf32, #tpu.memory_space<vmem>>
        %dma_wait3A_224 = arith.constant 0 : i32
        %dma_wait3A_225 = arith.constant 0 : i32
        %dma_wait3A_226 = tpu.memref_slice %arg4[%dma_wait3A_224, %dma_wait3A_225] : memref<200000x128xf32, #tpu.memory_space<hbm>> -> memref<32x128xf32, #tpu.memory_space<hbm>>
        %dma_wait3A_227 = arith.constant 0 : i32
        %dma_wait3A_228 = arith.constant 0 : i32
        %dma_wait3A_229 = tpu.memref_slice %arg4[%dma_wait3A_227, %dma_wait3A_228] : memref<200000x128xf32, #tpu.memory_space<hbm>> -> memref<32x128xf32, #tpu.memory_space<hbm>>
        %dma_wait3A_230 = arith.constant 0 : i32
        %dma_wait3A_231 = arith.constant 0 : i32
        %dma_wait3A_232 = tpu.memref_slice %arg9[%dma_wait3A_219, %dma_wait3A_230, %dma_wait3A_231] : memref<2x32x128xf32, #tpu.memory_space<vmem>> -> memref<1x32x128xf32, #tpu.memory_space<vmem>>
        %dma_wait3A_233 = tpu.memref_squeeze %dma_wait3A_232 : memref<1x32x128xf32, #tpu.memory_space<vmem>> -> memref<32x128xf32, #tpu.memory_space<vmem>>
        tpu.wait_dma2 semaphore(%arg12 : memref<!tpu.dma_semaphore, #tpu.memory_space<semaphore_mem>>) src(%dma_wait3A_233 : memref<32x128xf32, #tpu.memory_space<vmem>>) dst(%dma_wait3A_229 : memref<32x128xf32, #tpu.memory_space<hbm>>)
      } else {
      }
      %parallel_loop3A = arith.constant 0 : i32
      %parallel_loop3A_201 = arith.constant 128 : i32
      %parallel_loop3A_202 = arith.constant 1 : i32
      %parallel_loop3A_203:2 = scf.for %parallel_loop3A_219 = %parallel_loop3A to %parallel_loop3A_201 step %parallel_loop3A_202 iter_args(%parallel_loop3A_220 = %while3A_125, %parallel_loop3A_221 = %while3A_126) -> (vector<16xf32>, vector<16xf32>)  : i32 {
        %parallel_loop3A_222 = arith.constant 128 : i32
        %parallel_loop3A_223 = arith.addi %parallel_loop3A_222, %parallel_loop3A_219 : i32
        %parallel_loop3A_224 = arith.index_cast %select_n3A_136 : i32 to index
        %parallel_loop3A_225 = arith.index_cast %parallel_loop3A_219 : i32 to index
        %parallel_loop3A_226 = arith.constant 0 : index
        %parallel_loop3A_227 = tpu.vector_load %arg8[%parallel_loop3A_224, %parallel_loop3A_225, %parallel_loop3A_226] {strides = array<i32>} : memref<2x256x64xf32, #tpu.memory_space<vmem>>, vector<1x1x16xf32>,
        %parallel_loop3A_228 = vector.shape_cast %parallel_loop3A_227 : vector<1x1x16xf32> to vector<16xf32>
        %parallel_loop3A_229 = arith.index_cast %select_n3A_136 : i32 to index
        %parallel_loop3A_230 = arith.index_cast %parallel_loop3A_219 : i32 to index
        %parallel_loop3A_231 = arith.constant 16 : index
        %parallel_loop3A_232 = tpu.vector_load %arg8[%parallel_loop3A_229, %parallel_loop3A_230, %parallel_loop3A_231] {strides = array<i32>} : memref<2x256x64xf32, #tpu.memory_space<vmem>>, vector<1x1x16xf32>,
        %parallel_loop3A_233 = vector.shape_cast %parallel_loop3A_232 : vector<1x1x16xf32> to vector<16xf32>
        %parallel_loop3A_234 = arith.index_cast %select_n3A_136 : i32 to index
        %parallel_loop3A_235 = arith.index_cast %parallel_loop3A_219 : i32 to index
        %parallel_loop3A_236 = arith.constant 32 : index
        %parallel_loop3A_237 = tpu.vector_load %arg8[%parallel_loop3A_234, %parallel_loop3A_235, %parallel_loop3A_236] {strides = array<i32>} : memref<2x256x64xf32, #tpu.memory_space<vmem>>, vector<1x1x16xf32>,
        %parallel_loop3A_238 = vector.shape_cast %parallel_loop3A_237 : vector<1x1x16xf32> to vector<16xf32>
        %parallel_loop3A_239 = arith.index_cast %select_n3A_136 : i32 to index
        %parallel_loop3A_240 = arith.index_cast %parallel_loop3A_219 : i32 to index
        %parallel_loop3A_241 = arith.constant 48 : index
        %parallel_loop3A_242 = tpu.vector_load %arg8[%parallel_loop3A_239, %parallel_loop3A_240, %parallel_loop3A_241] {strides = array<i32>} : memref<2x256x64xf32, #tpu.memory_space<vmem>>, vector<1x1x16xf32>,
        %parallel_loop3A_243 = vector.shape_cast %parallel_loop3A_242 : vector<1x1x16xf32> to vector<16xf32>
        %parallel_loop3A_244 = arith.index_cast %select_n3A_136 : i32 to index
        %parallel_loop3A_245 = arith.index_cast %parallel_loop3A_223 : i32 to index
        %parallel_loop3A_246 = arith.constant 0 : index
        %parallel_loop3A_247 = tpu.vector_load %arg8[%parallel_loop3A_244, %parallel_loop3A_245, %parallel_loop3A_246] {strides = array<i32>} : memref<2x256x64xf32, #tpu.memory_space<vmem>>, vector<1x1x16xf32>,
        %parallel_loop3A_248 = vector.shape_cast %parallel_loop3A_247 : vector<1x1x16xf32> to vector<16xf32>
        %parallel_loop3A_249 = arith.index_cast %select_n3A_136 : i32 to index
        %parallel_loop3A_250 = arith.index_cast %parallel_loop3A_223 : i32 to index
        %parallel_loop3A_251 = arith.constant 16 : index
        %parallel_loop3A_252 = tpu.vector_load %arg8[%parallel_loop3A_249, %parallel_loop3A_250, %parallel_loop3A_251] {strides = array<i32>} : memref<2x256x64xf32, #tpu.memory_space<vmem>>, vector<1x1x16xf32>,
        %parallel_loop3A_253 = vector.shape_cast %parallel_loop3A_252 : vector<1x1x16xf32> to vector<16xf32>
        %parallel_loop3A_254 = arith.index_cast %select_n3A_136 : i32 to index
        %parallel_loop3A_255 = arith.index_cast %parallel_loop3A_223 : i32 to index
        %parallel_loop3A_256 = arith.constant 32 : index
        %parallel_loop3A_257 = tpu.vector_load %arg8[%parallel_loop3A_254, %parallel_loop3A_255, %parallel_loop3A_256] {strides = array<i32>} : memref<2x256x64xf32, #tpu.memory_space<vmem>>, vector<1x1x16xf32>,
        %parallel_loop3A_258 = vector.shape_cast %parallel_loop3A_257 : vector<1x1x16xf32> to vector<16xf32>
        %parallel_loop3A_259 = arith.index_cast %select_n3A_136 : i32 to index
        %parallel_loop3A_260 = arith.index_cast %parallel_loop3A_223 : i32 to index
        %parallel_loop3A_261 = arith.constant 48 : index
        %parallel_loop3A_262 = tpu.vector_load %arg8[%parallel_loop3A_259, %parallel_loop3A_260, %parallel_loop3A_261] {strides = array<i32>} : memref<2x256x64xf32, #tpu.memory_space<vmem>>, vector<1x1x16xf32>,
        %parallel_loop3A_263 = vector.shape_cast %parallel_loop3A_262 : vector<1x1x16xf32> to vector<16xf32>
        %parallel_loop3A_264 = arith.addf %parallel_loop3A_228, %parallel_loop3A_258 : vector<16xf32>
        %parallel_loop3A_265 = arith.addf %parallel_loop3A_264, %parallel_loop3A_264 : vector<16xf32>
        %parallel_loop3A_266 = math.exp %parallel_loop3A_265 : vector<16xf32>
        %parallel_loop3A_267 = arith.constant 1.000000e+00 : f32
        %parallel_loop3A_268 = vector.broadcast %parallel_loop3A_267 : f32 to vector<16xf32>
        %parallel_loop3A_269 = arith.addf %parallel_loop3A_266, %parallel_loop3A_268 : vector<16xf32>
        %parallel_loop3A_270 = arith.constant 2.000000e+00 : f32
        %parallel_loop3A_271 = vector.broadcast %parallel_loop3A_270 : f32 to vector<16xf32>
        %parallel_loop3A_272 = arith.divf %parallel_loop3A_271, %parallel_loop3A_269 : vector<16xf32>
        %parallel_loop3A_273 = arith.constant 1.000000e+00 : f32
        %parallel_loop3A_274 = vector.broadcast %parallel_loop3A_273 : f32 to vector<16xf32>
        %parallel_loop3A_275 = arith.subf %parallel_loop3A_274, %parallel_loop3A_272 : vector<16xf32>
        %parallel_loop3A_276 = arith.addf %parallel_loop3A_248, %parallel_loop3A_238 : vector<16xf32>
        %parallel_loop3A_277 = arith.addf %parallel_loop3A_276, %parallel_loop3A_276 : vector<16xf32>
        %parallel_loop3A_278 = math.exp %parallel_loop3A_277 : vector<16xf32>
        %parallel_loop3A_279 = arith.constant 1.000000e+00 : f32
        %parallel_loop3A_280 = vector.broadcast %parallel_loop3A_279 : f32 to vector<16xf32>
        %parallel_loop3A_281 = arith.addf %parallel_loop3A_278, %parallel_loop3A_280 : vector<16xf32>
        %parallel_loop3A_282 = arith.constant 2.000000e+00 : f32
        %parallel_loop3A_283 = vector.broadcast %parallel_loop3A_282 : f32 to vector<16xf32>
        %parallel_loop3A_284 = arith.divf %parallel_loop3A_283, %parallel_loop3A_281 : vector<16xf32>
        %parallel_loop3A_285 = arith.constant 1.000000e+00 : f32
        %parallel_loop3A_286 = vector.broadcast %parallel_loop3A_285 : f32 to vector<16xf32>
        %parallel_loop3A_287 = arith.subf %parallel_loop3A_286, %parallel_loop3A_284 : vector<16xf32>
        %parallel_loop3A_288 = arith.addf %parallel_loop3A_275, %parallel_loop3A_287 : vector<16xf32>
        %parallel_loop3A_289 = arith.constant 5.000000e-01 : f32
        %parallel_loop3A_290 = vector.broadcast %parallel_loop3A_289 : f32 to vector<16xf32>
        %parallel_loop3A_291 = arith.mulf %parallel_loop3A_288, %parallel_loop3A_290 : vector<16xf32>
        %parallel_loop3A_292 = arith.addf %parallel_loop3A_233, %parallel_loop3A_263 : vector<16xf32>
        %parallel_loop3A_293 = arith.addf %parallel_loop3A_292, %parallel_loop3A_292 : vector<16xf32>
        %parallel_loop3A_294 = math.exp %parallel_loop3A_293 : vector<16xf32>
        %parallel_loop3A_295 = arith.constant 1.000000e+00 : f32
        %parallel_loop3A_296 = vector.broadcast %parallel_loop3A_295 : f32 to vector<16xf32>
        %parallel_loop3A_297 = arith.addf %parallel_loop3A_294, %parallel_loop3A_296 : vector<16xf32>
        %parallel_loop3A_298 = arith.constant 2.000000e+00 : f32
        %parallel_loop3A_299 = vector.broadcast %parallel_loop3A_298 : f32 to vector<16xf32>
        %parallel_loop3A_300 = arith.divf %parallel_loop3A_299, %parallel_loop3A_297 : vector<16xf32>
        %parallel_loop3A_301 = arith.constant 1.000000e+00 : f32
        %parallel_loop3A_302 = vector.broadcast %parallel_loop3A_301 : f32 to vector<16xf32>
        %parallel_loop3A_303 = arith.subf %parallel_loop3A_302, %parallel_loop3A_300 : vector<16xf32>
        %parallel_loop3A_304 = arith.addf %parallel_loop3A_253, %parallel_loop3A_243 : vector<16xf32>
        %parallel_loop3A_305 = arith.addf %parallel_loop3A_304, %parallel_loop3A_304 : vector<16xf32>
        %parallel_loop3A_306 = math.exp %parallel_loop3A_305 : vector<16xf32>
        %parallel_loop3A_307 = arith.constant 1.000000e+00 : f32
        %parallel_loop3A_308 = vector.broadcast %parallel_loop3A_307 : f32 to vector<16xf32>
        %parallel_loop3A_309 = arith.addf %parallel_loop3A_306, %parallel_loop3A_308 : vector<16xf32>
        %parallel_loop3A_310 = arith.constant 2.000000e+00 : f32
        %parallel_loop3A_311 = vector.broadcast %parallel_loop3A_310 : f32 to vector<16xf32>
        %parallel_loop3A_312 = arith.divf %parallel_loop3A_311, %parallel_loop3A_309 : vector<16xf32>
        %parallel_loop3A_313 = arith.constant 1.000000e+00 : f32
        %parallel_loop3A_314 = vector.broadcast %parallel_loop3A_313 : f32 to vector<16xf32>
        %parallel_loop3A_315 = arith.subf %parallel_loop3A_314, %parallel_loop3A_312 : vector<16xf32>
        %parallel_loop3A_316 = arith.addf %parallel_loop3A_303, %parallel_loop3A_315 : vector<16xf32>
        %parallel_loop3A_317 = arith.constant 5.000000e-01 : f32
        %parallel_loop3A_318 = vector.broadcast %parallel_loop3A_317 : f32 to vector<16xf32>
        %parallel_loop3A_319 = arith.mulf %parallel_loop3A_316, %parallel_loop3A_318 : vector<16xf32>
        %parallel_loop3A_320 = arith.constant 4 : i32
        %parallel_loop3A_321 = arith.divsi %parallel_loop3A_219, %parallel_loop3A_320 : i32
        %parallel_loop3A_322 = arith.constant 0 : i32
        %parallel_loop3A_323 = arith.cmpi sgt, %parallel_loop3A_219, %parallel_loop3A_322 : i32
        %parallel_loop3A_324 = arith.extui %parallel_loop3A_323 : i1 to i32
        %parallel_loop3A_325 = arith.constant 0 : i32
        %parallel_loop3A_326 = arith.cmpi slt, %parallel_loop3A_219, %parallel_loop3A_325 : i32
        %parallel_loop3A_327 = arith.extui %parallel_loop3A_326 : i1 to i32
        %parallel_loop3A_328 = arith.subi %parallel_loop3A_324, %parallel_loop3A_327 : i32
        %parallel_loop3A_329 = arith.constant 0 : i32
        %parallel_loop3A_330 = arith.cmpi sgt, %parallel_loop3A_320, %parallel_loop3A_329 : i32
        %parallel_loop3A_331 = arith.extui %parallel_loop3A_330 : i1 to i32
        %parallel_loop3A_332 = arith.constant 0 : i32
        %parallel_loop3A_333 = arith.cmpi slt, %parallel_loop3A_320, %parallel_loop3A_332 : i32
        %parallel_loop3A_334 = arith.extui %parallel_loop3A_333 : i1 to i32
        %parallel_loop3A_335 = arith.subi %parallel_loop3A_331, %parallel_loop3A_334 : i32
        %parallel_loop3A_336 = arith.cmpi ne, %parallel_loop3A_328, %parallel_loop3A_335 : i32
        %parallel_loop3A_337 = arith.remsi %parallel_loop3A_219, %parallel_loop3A_320 : i32
        %parallel_loop3A_338 = arith.constant 0 : i32
        %parallel_loop3A_339 = arith.cmpi ne, %parallel_loop3A_337, %parallel_loop3A_338 : i32
        %parallel_loop3A_340 = arith.andi %parallel_loop3A_336, %parallel_loop3A_339 : i1
        %parallel_loop3A_341 = arith.constant 1 : i32
        %parallel_loop3A_342 = arith.subi %parallel_loop3A_321, %parallel_loop3A_341 : i32
        %parallel_loop3A_343 = arith.select %parallel_loop3A_340, %parallel_loop3A_342, %parallel_loop3A_321 : i32
        %parallel_loop3A_344 = arith.constant 4 : i32
        %parallel_loop3A_345 = arith.constant 0 : i32
        %parallel_loop3A_346 = arith.cmpi eq, %parallel_loop3A_344, %parallel_loop3A_345 : i32
        %parallel_loop3A_347 = arith.constant 1 : i32
        %parallel_loop3A_348 = arith.select %parallel_loop3A_346, %parallel_loop3A_347, %parallel_loop3A_344 : i32
        %parallel_loop3A_349 = arith.remsi %parallel_loop3A_219, %parallel_loop3A_348 : i32
        %parallel_loop3A_350 = arith.constant 0 : i32
        %parallel_loop3A_351 = arith.cmpi ne, %parallel_loop3A_349, %parallel_loop3A_350 : i32
        %parallel_loop3A_352 = arith.constant 0 : i32
        %parallel_loop3A_353 = arith.cmpi slt, %parallel_loop3A_349, %parallel_loop3A_352 : i32
        %parallel_loop3A_354 = arith.constant 0 : i32
        %parallel_loop3A_355 = arith.cmpi slt, %parallel_loop3A_348, %parallel_loop3A_354 : i32
        %parallel_loop3A_356 = arith.xori %parallel_loop3A_353, %parallel_loop3A_355 : i1
        %parallel_loop3A_357 = arith.andi %parallel_loop3A_356, %parallel_loop3A_351 : i1
        %parallel_loop3A_358 = arith.addi %parallel_loop3A_349, %parallel_loop3A_348 : i32
        %parallel_loop3A_359 = arith.select %parallel_loop3A_357, %parallel_loop3A_358, %parallel_loop3A_349 : i32
        %parallel_loop3A_360 = arith.constant 32 : i32
        %parallel_loop3A_361 = arith.muli %parallel_loop3A_359, %parallel_loop3A_360 : i32
        %parallel_loop3A_362 = arith.index_cast %select_n3A_136 : i32 to index
        %parallel_loop3A_363 = arith.index_cast %parallel_loop3A_343 : i32 to index
        %parallel_loop3A_364 = arith.index_cast %parallel_loop3A_361 : i32 to index
        %parallel_loop3A_365 = tpu.vector_load %arg9[%parallel_loop3A_362, %parallel_loop3A_363, %parallel_loop3A_364] {strides = array<i32>} : memref<2x32x128xf32, #tpu.memory_space<vmem>>, vector<1x1x16xf32>,
        %parallel_loop3A_366 = vector.shape_cast %parallel_loop3A_365 : vector<1x1x16xf32> to vector<16xf32>
        %parallel_loop3A_367 = vector.shape_cast %parallel_loop3A_291 : vector<16xf32> to vector<1x1x16xf32>
        tpu.vector_store %arg9[%parallel_loop3A_362, %parallel_loop3A_363, %parallel_loop3A_364], %parallel_loop3A_367 {strides = array<i32>} : memref<2x32x128xf32, #tpu.memory_space<vmem>>, vector<1x1x16xf32>,
        %parallel_loop3A_368 = arith.constant 16 : i32
        %parallel_loop3A_369 = arith.addi %parallel_loop3A_361, %parallel_loop3A_368 : i32
        %parallel_loop3A_370 = arith.index_cast %select_n3A_136 : i32 to index
        %parallel_loop3A_371 = arith.index_cast %parallel_loop3A_343 : i32 to index
        %parallel_loop3A_372 = arith.index_cast %parallel_loop3A_369 : i32 to index
        %parallel_loop3A_373 = tpu.vector_load %arg9[%parallel_loop3A_370, %parallel_loop3A_371, %parallel_loop3A_372] {strides = array<i32>} : memref<2x32x128xf32, #tpu.memory_space<vmem>>, vector<1x1x16xf32>,
        %parallel_loop3A_374 = vector.shape_cast %parallel_loop3A_373 : vector<1x1x16xf32> to vector<16xf32>
        %parallel_loop3A_375 = vector.shape_cast %parallel_loop3A_319 : vector<16xf32> to vector<1x1x16xf32>
        tpu.vector_store %arg9[%parallel_loop3A_370, %parallel_loop3A_371, %parallel_loop3A_372], %parallel_loop3A_375 {strides = array<i32>} : memref<2x32x128xf32, #tpu.memory_space<vmem>>, vector<1x1x16xf32>,
        %parallel_loop3A_376 = arith.addf %parallel_loop3A_220, %parallel_loop3A_291 : vector<16xf32>
        %parallel_loop3A_377 = arith.addf %parallel_loop3A_221, %parallel_loop3A_319 : vector<16xf32>
        scf.yield %parallel_loop3A_376, %parallel_loop3A_377 : vector<16xf32>, vector<16xf32>
      } {sc.loop_unroll_factor = 8 : i64, sc.parallel_access}
      %mul3A_204 = arith.constant 32 : i32
      %mul3A_205 = arith.muli %while3A_124, %mul3A_204 : i32
      %add3A_206 = arith.addi %mul3A_9, %mul3A_205 : i32
      %dma_start3A_207 = arith.constant 0 : i32
      %dma_start3A_208 = arith.constant 0 : i32
      %dma_start3A_209 = tpu.memref_slice %arg9[%select_n3A_136, %dma_start3A_207, %dma_start3A_208] : memref<2x32x128xf32, #tpu.memory_space<vmem>> -> memref<1x32x128xf32, #tpu.memory_space<vmem>>
      %dma_start3A_210 = tpu.memref_squeeze %dma_start3A_209 : memref<1x32x128xf32, #tpu.memory_space<vmem>> -> memref<32x128xf32, #tpu.memory_space<vmem>>
      %dma_start3A_211 = arith.constant 0 : i32
      %dma_start3A_212 = tpu.memref_slice %arg4[%add3A_206, %dma_start3A_211] : memref<200000x128xf32, #tpu.memory_space<hbm>> -> memref<32x128xf32, #tpu.memory_space<hbm>>
      %dma_start3A_213 = arith.constant 0 : i32
      %dma_start3A_214 = tpu.memref_slice %arg4[%add3A_206, %dma_start3A_213] : memref<200000x128xf32, #tpu.memory_space<hbm>> -> memref<32x128xf32, #tpu.memory_space<hbm>>
      %dma_start3A_215 = arith.constant 0 : i32
      %dma_start3A_216 = arith.constant 0 : i32
      %dma_start3A_217 = tpu.memref_slice %arg9[%select_n3A_136, %dma_start3A_215, %dma_start3A_216] : memref<2x32x128xf32, #tpu.memory_space<vmem>> -> memref<1x32x128xf32, #tpu.memory_space<vmem>>
      %dma_start3A_218 = tpu.memref_squeeze %dma_start3A_217 : memref<1x32x128xf32, #tpu.memory_space<vmem>> -> memref<32x128xf32, #tpu.memory_space<vmem>>
      tpu.enqueue_dma source(%dma_start3A_218 : memref<32x128xf32, #tpu.memory_space<vmem>>) target(%dma_start3A_214 : memref<32x128xf32, #tpu.memory_space<hbm>>) target_semaphore(%arg12 : memref<!tpu.dma_semaphore, #tpu.memory_space<semaphore_mem>>)
      scf.yield %parallel_loop3A_203#0, %parallel_loop3A_203#1 : vector<16xf32>, vector<16xf32>
    }
    %while3A_60 = arith.constant 1 : i32
    %while3A_61:2 = scf.for %while3A_124 = %while3A_57 to %while3A_53 step %while3A_60 iter_args(%while3A_125 = %while3A_59#0, %while3A_126 = %while3A_59#1) -> (vector<16xf32>, vector<16xf32>)  : i32 {
      %jit3A = arith.constant 2 : i32
      %eq3A = arith.constant 0 : i32
      %eq3A_127 = arith.cmpi eq, %jit3A, %eq3A : i32
      %jit3A_128 = arith.constant 1 : i32
      %select_n3A = arith.select %eq3A_127, %jit3A_128, %jit3A : i32
      %rem3A = arith.remsi %while3A_124, %select_n3A : i32
      %ne3A = arith.constant 0 : i32
      %ne3A_129 = arith.cmpi ne, %rem3A, %ne3A : i32
      %lt3A_130 = arith.constant 0 : i32
      %lt3A_131 = arith.cmpi slt, %rem3A, %lt3A_130 : i32
      %lt3A_132 = arith.constant 0 : i32
      %lt3A_133 = arith.cmpi slt, %select_n3A, %lt3A_132 : i32
      %ne3A_134 = arith.xori %lt3A_131, %lt3A_133 : i1
      %and3A = arith.andi %ne3A_134, %ne3A_129 : i1
      %add3A_135 = arith.addi %rem3A, %select_n3A : i32
      %select_n3A_136 = arith.select %and3A, %add3A_135, %rem3A : i32
      %add3A_137 = arith.addi %add3A_4, %while3A_124 : i32
      %jit3A_138 = arith.constant 16 : i32
      %div3A = arith.divsi %while3A_124, %jit3A_138 : i32
      %sign3A = arith.constant 0 : i32
      %sign3A_139 = arith.cmpi sgt, %while3A_124, %sign3A : i32
      %sign3A_140 = arith.extui %sign3A_139 : i1 to i32
      %sign3A_141 = arith.constant 0 : i32
      %sign3A_142 = arith.cmpi slt, %while3A_124, %sign3A_141 : i32
      %sign3A_143 = arith.extui %sign3A_142 : i1 to i32
      %sign3A_144 = arith.subi %sign3A_140, %sign3A_143 : i32
      %sign3A_145 = arith.constant 0 : i32
      %sign3A_146 = arith.cmpi sgt, %jit3A_138, %sign3A_145 : i32
      %sign3A_147 = arith.extui %sign3A_146 : i1 to i32
      %sign3A_148 = arith.constant 0 : i32
      %sign3A_149 = arith.cmpi slt, %jit3A_138, %sign3A_148 : i32
      %sign3A_150 = arith.extui %sign3A_149 : i1 to i32
      %sign3A_151 = arith.subi %sign3A_147, %sign3A_150 : i32
      %ne3A_152 = arith.cmpi ne, %sign3A_144, %sign3A_151 : i32
      %rem3A_153 = arith.remsi %while3A_124, %jit3A_138 : i32
      %ne3A_154 = arith.constant 0 : i32
      %ne3A_155 = arith.cmpi ne, %rem3A_153, %ne3A_154 : i32
      %and3A_156 = arith.andi %ne3A_152, %ne3A_155 : i1
      %sub3A_157 = arith.constant 1 : i32
      %sub3A_158 = arith.subi %div3A, %sub3A_157 : i32
      %select_n3A_159 = arith.select %and3A_156, %sub3A_158, %div3A : i32
      %mul3A_160 = arith.constant 16 : i32
      %mul3A_161 = arith.muli %select_n3A_159, %mul3A_160 : i32
      %add3A_162 = arith.addi %add3A_4, %mul3A_161 : i32
      %min3A_163 = arith.constant 6234 : i32
      %min3A_164 = arith.minsi %add3A_162, %min3A_163 : i32
      %sub3A_165 = arith.subi %add3A_137, %min3A_164 : i32
      %dma_wait3A_166 = arith.constant 0 : i32
      %dma_wait3A_167 = arith.constant 0 : i32
      %dma_wait3A_168 = tpu.memref_slice %arg8[%select_n3A_136, %dma_wait3A_166, %dma_wait3A_167] : memref<2x256x64xf32, #tpu.memory_space<vmem>> -> memref<1x256x64xf32, #tpu.memory_space<vmem>>
      %dma_wait3A_169 = tpu.memref_squeeze %dma_wait3A_168 : memref<1x256x64xf32, #tpu.memory_space<vmem>> -> memref<256x64xf32, #tpu.memory_space<vmem>>
      %dma_wait3A_170 = arith.constant 0 : i32
      %dma_wait3A_171 = arith.constant 0 : i32
      %dma_wait3A_172 = tpu.memref_slice %dma_wait3A_169[%dma_wait3A_170, %dma_wait3A_171] : memref<256x64xf32, #tpu.memory_space<vmem>> -> memref<128x64xf32, #tpu.memory_space<vmem>>
      %dma_wait3A_173 = arith.constant 0 : i32
      %dma_wait3A_174 = tpu.memref_slice %arg6[%sub3A_165, %dma_wait3A_173] : memref<16x128xi32, #tpu.memory_space<vmem>> -> memref<1x128xi32, #tpu.memory_space<vmem>>
      %dma_wait3A_175 = tpu.memref_squeeze %dma_wait3A_174 : memref<1x128xi32, #tpu.memory_space<vmem>> -> memref<128xi32, #tpu.memory_space<vmem>>
      %dma_wait3A_176 = arith.constant 0 : i32
      %dma_wait3A_177 = arith.constant 0 : i32
      %dma_wait3A_178 = tpu.memref_slice %arg2[%dma_wait3A_176, %dma_wait3A_177] : memref<50000x64xf32, #tpu.memory_space<hbm>> -> memref<50000x64xf32, #tpu.memory_space<hbm>>
      tpu.wait_indirect_dma semaphore(%arg11 : memref<!tpu.dma_semaphore, #tpu.memory_space<semaphore_mem>>) src(%dma_wait3A_178 : memref<50000x64xf32, #tpu.memory_space<hbm>>) dst(%dma_wait3A_172 : memref<128x64xf32, #tpu.memory_space<vmem>>)
      %dma_wait3A_179 = arith.constant 0 : i32
      %dma_wait3A_180 = arith.constant 0 : i32
      %dma_wait3A_181 = tpu.memref_slice %arg8[%select_n3A_136, %dma_wait3A_179, %dma_wait3A_180] : memref<2x256x64xf32, #tpu.memory_space<vmem>> -> memref<1x256x64xf32, #tpu.memory_space<vmem>>
      %dma_wait3A_182 = tpu.memref_squeeze %dma_wait3A_181 : memref<1x256x64xf32, #tpu.memory_space<vmem>> -> memref<256x64xf32, #tpu.memory_space<vmem>>
      %dma_wait3A_183 = arith.constant 128 : i32
      %dma_wait3A_184 = arith.constant 0 : i32
      %dma_wait3A_185 = tpu.memref_slice %dma_wait3A_182[%dma_wait3A_183, %dma_wait3A_184] : memref<256x64xf32, #tpu.memory_space<vmem>> -> memref<128x64xf32, #tpu.memory_space<vmem>>
      %dma_wait3A_186 = arith.constant 0 : i32
      %dma_wait3A_187 = tpu.memref_slice %arg7[%sub3A_165, %dma_wait3A_186] : memref<16x128xi32, #tpu.memory_space<vmem>> -> memref<1x128xi32, #tpu.memory_space<vmem>>
      %dma_wait3A_188 = tpu.memref_squeeze %dma_wait3A_187 : memref<1x128xi32, #tpu.memory_space<vmem>> -> memref<128xi32, #tpu.memory_space<vmem>>
      %dma_wait3A_189 = arith.constant 0 : i32
      %dma_wait3A_190 = arith.constant 0 : i32
      %dma_wait3A_191 = tpu.memref_slice %arg2[%dma_wait3A_189, %dma_wait3A_190] : memref<50000x64xf32, #tpu.memory_space<hbm>> -> memref<50000x64xf32, #tpu.memory_space<hbm>>
      tpu.wait_indirect_dma semaphore(%arg11 : memref<!tpu.dma_semaphore, #tpu.memory_space<semaphore_mem>>) src(%dma_wait3A_191 : memref<50000x64xf32, #tpu.memory_space<hbm>>) dst(%dma_wait3A_185 : memref<128x64xf32, #tpu.memory_space<vmem>>)
      %add3A_192 = arith.constant 1 : i32
      %add3A_193 = arith.addi %while3A_124, %add3A_192 : i32
      %lt3A_194 = arith.cmpi slt, %add3A_193, %add3A_7 : i32
      %convert_element_type3A_195 = arith.extui %lt3A_194 : i1 to i32
      %cond3A = arith.constant 0 : i32
      %cond3A_196 = arith.cmpi ne, %convert_element_type3A_195, %cond3A : i32
      scf.if %cond3A_196 {
        %add3A_219 = arith.constant 1 : i32
        %add3A_220 = arith.addi %while3A_124, %add3A_219 : i32
        %jit3A_221 = arith.constant 16 : i32
        %eq3A_222 = arith.constant 0 : i32
        %eq3A_223 = arith.cmpi eq, %jit3A_221, %eq3A_222 : i32
        %jit3A_224 = arith.constant 1 : i32
        %select_n3A_225 = arith.select %eq3A_223, %jit3A_224, %jit3A_221 : i32
        %rem3A_226 = arith.remsi %add3A_220, %select_n3A_225 : i32
        %ne3A_227 = arith.constant 0 : i32
        %ne3A_228 = arith.cmpi ne, %rem3A_226, %ne3A_227 : i32
        %lt3A_229 = arith.constant 0 : i32
        %lt3A_230 = arith.cmpi slt, %rem3A_226, %lt3A_229 : i32
        %lt3A_231 = arith.constant 0 : i32
        %lt3A_232 = arith.cmpi slt, %select_n3A_225, %lt3A_231 : i32
        %ne3A_233 = arith.xori %lt3A_230, %lt3A_232 : i1
        %and3A_234 = arith.andi %ne3A_233, %ne3A_228 : i1
        %add3A_235 = arith.addi %rem3A_226, %select_n3A_225 : i32
        %select_n3A_236 = arith.select %and3A_234, %add3A_235, %rem3A_226 : i32
        %eq3A_237 = arith.constant 0 : i32
        %eq3A_238 = arith.cmpi eq, %select_n3A_236, %eq3A_237 : i32
        %convert_element_type3A_239 = arith.extui %eq3A_238 : i1 to i32
        %cond3A_240 = arith.constant 0 : i32
        %cond3A_241 = arith.cmpi ne, %convert_element_type3A_239, %cond3A_240 : i32
        scf.if %cond3A_241 {
          %add3A_303 = arith.constant 1 : i32
          %add3A_304 = arith.addi %while3A_124, %add3A_303 : i32
          %jit3A_305 = arith.constant 16 : i32
          %div3A_306 = arith.divsi %add3A_304, %jit3A_305 : i32
          %sign3A_307 = arith.constant 0 : i32
          %sign3A_308 = arith.cmpi sgt, %add3A_304, %sign3A_307 : i32
          %sign3A_309 = arith.extui %sign3A_308 : i1 to i32
          %sign3A_310 = arith.constant 0 : i32
          %sign3A_311 = arith.cmpi slt, %add3A_304, %sign3A_310 : i32
          %sign3A_312 = arith.extui %sign3A_311 : i1 to i32
          %sign3A_313 = arith.subi %sign3A_309, %sign3A_312 : i32
          %sign3A_314 = arith.constant 0 : i32
          %sign3A_315 = arith.cmpi sgt, %jit3A_305, %sign3A_314 : i32
          %sign3A_316 = arith.extui %sign3A_315 : i1 to i32
          %sign3A_317 = arith.constant 0 : i32
          %sign3A_318 = arith.cmpi slt, %jit3A_305, %sign3A_317 : i32
          %sign3A_319 = arith.extui %sign3A_318 : i1 to i32
          %sign3A_320 = arith.subi %sign3A_316, %sign3A_319 : i32
          %ne3A_321 = arith.cmpi ne, %sign3A_313, %sign3A_320 : i32
          %rem3A_322 = arith.remsi %add3A_304, %jit3A_305 : i32
          %ne3A_323 = arith.constant 0 : i32
          %ne3A_324 = arith.cmpi ne, %rem3A_322, %ne3A_323 : i32
          %and3A_325 = arith.andi %ne3A_321, %ne3A_324 : i1
          %sub3A_326 = arith.constant 1 : i32
          %sub3A_327 = arith.subi %div3A_306, %sub3A_326 : i32
          %select_n3A_328 = arith.select %and3A_325, %sub3A_327, %div3A_306 : i32
          %mul3A_329 = arith.constant 16 : i32
          %mul3A_330 = arith.muli %select_n3A_328, %mul3A_329 : i32
          %add3A_331 = arith.addi %add3A_4, %mul3A_330 : i32
          %min3A_332 = arith.constant 6234 : i32
          %min3A_333 = arith.minsi %add3A_331, %min3A_332 : i32
          "tpu.region"() ({
            %run_scoped3A = tpu.sem_alloc : memref<!tpu.dma_semaphore, #tpu.memory_space<semaphore_mem>>
            %dma_start3A_336 = arith.constant 0 : i32
            %dma_start3A_337 = tpu.memref_slice %arg3[%min3A_333, %dma_start3A_336] : memref<12500x128xi32, #tpu.memory_space<hbm>> -> memref<16x128xi32, #tpu.memory_space<hbm>>
            %dma_start3A_338 = arith.constant 0 : i32
            %dma_start3A_339 = tpu.memref_slice %arg3[%min3A_333, %dma_start3A_338] : memref<12500x128xi32, #tpu.memory_space<hbm>> -> memref<16x128xi32, #tpu.memory_space<hbm>>
            tpu.enqueue_dma source(%dma_start3A_339 : memref<16x128xi32, #tpu.memory_space<hbm>>) target(%arg6 : memref<16x128xi32, #tpu.memory_space<vmem>>) target_semaphore(%run_scoped3A : memref<!tpu.dma_semaphore, #tpu.memory_space<semaphore_mem>>)
            %dma_wait3A_340 = arith.constant 0 : i32
            %dma_wait3A_341 = tpu.memref_slice %arg3[%min3A_333, %dma_wait3A_340] : memref<12500x128xi32, #tpu.memory_space<hbm>> -> memref<16x128xi32, #tpu.memory_space<hbm>>
            %dma_wait3A_342 = arith.constant 0 : i32
            %dma_wait3A_343 = tpu.memref_slice %arg3[%min3A_333, %dma_wait3A_342] : memref<12500x128xi32, #tpu.memory_space<hbm>> -> memref<16x128xi32, #tpu.memory_space<hbm>>
            tpu.wait_dma2 semaphore(%run_scoped3A : memref<!tpu.dma_semaphore, #tpu.memory_space<semaphore_mem>>) src(%dma_wait3A_343 : memref<16x128xi32, #tpu.memory_space<hbm>>) dst(%arg6 : memref<16x128xi32, #tpu.memory_space<vmem>>)
            tpu.yield
          }) : () -> ()
          %add3A_334 = arith.constant 6250 : i32
          %add3A_335 = arith.addi %add3A_334, %min3A_333 : i32
          "tpu.region"() ({
            %run_scoped3A = tpu.sem_alloc : memref<!tpu.dma_semaphore, #tpu.memory_space<semaphore_mem>>
            %dma_start3A_336 = arith.constant 0 : i32
            %dma_start3A_337 = tpu.memref_slice %arg3[%add3A_335, %dma_start3A_336] : memref<12500x128xi32, #tpu.memory_space<hbm>> -> memref<16x128xi32, #tpu.memory_space<hbm>>
            %dma_start3A_338 = arith.constant 0 : i32
            %dma_start3A_339 = tpu.memref_slice %arg3[%add3A_335, %dma_start3A_338] : memref<12500x128xi32, #tpu.memory_space<hbm>> -> memref<16x128xi32, #tpu.memory_space<hbm>>
            tpu.enqueue_dma source(%dma_start3A_339 : memref<16x128xi32, #tpu.memory_space<hbm>>) target(%arg7 : memref<16x128xi32, #tpu.memory_space<vmem>>) target_semaphore(%run_scoped3A : memref<!tpu.dma_semaphore, #tpu.memory_space<semaphore_mem>>)
            %dma_wait3A_340 = arith.constant 0 : i32
            %dma_wait3A_341 = tpu.memref_slice %arg3[%add3A_335, %dma_wait3A_340] : memref<12500x128xi32, #tpu.memory_space<hbm>> -> memref<16x128xi32, #tpu.memory_space<hbm>>
            %dma_wait3A_342 = arith.constant 0 : i32
            %dma_wait3A_343 = tpu.memref_slice %arg3[%add3A_335, %dma_wait3A_342] : memref<12500x128xi32, #tpu.memory_space<hbm>> -> memref<16x128xi32, #tpu.memory_space<hbm>>
            tpu.wait_dma2 semaphore(%run_scoped3A : memref<!tpu.dma_semaphore, #tpu.memory_space<semaphore_mem>>) src(%dma_wait3A_343 : memref<16x128xi32, #tpu.memory_space<hbm>>) dst(%arg7 : memref<16x128xi32, #tpu.memory_space<vmem>>)
            tpu.yield
          }) : () -> ()
        } else {
        }
        %add3A_242 = arith.constant 1 : i32
        %add3A_243 = arith.addi %while3A_124, %add3A_242 : i32
        %sub3A_244 = arith.constant 1 : i32
        %sub3A_245 = arith.subi %sub3A_244, %select_n3A_136 : i32
        %add3A_246 = arith.addi %add3A_4, %add3A_243 : i32
        %jit3A_247 = arith.constant 16 : i32
        %div3A_248 = arith.divsi %add3A_243, %jit3A_247 : i32
        %sign3A_249 = arith.constant 0 : i32
        %sign3A_250 = arith.cmpi sgt, %add3A_243, %sign3A_249 : i32
        %sign3A_251 = arith.extui %sign3A_250 : i1 to i32
        %sign3A_252 = arith.constant 0 : i32
        %sign3A_253 = arith.cmpi slt, %add3A_243, %sign3A_252 : i32
        %sign3A_254 = arith.extui %sign3A_253 : i1 to i32
        %sign3A_255 = arith.subi %sign3A_251, %sign3A_254 : i32
        %sign3A_256 = arith.constant 0 : i32
        %sign3A_257 = arith.cmpi sgt, %jit3A_247, %sign3A_256 : i32
        %sign3A_258 = arith.extui %sign3A_257 : i1 to i32
        %sign3A_259 = arith.constant 0 : i32
        %sign3A_260 = arith.cmpi slt, %jit3A_247, %sign3A_259 : i32
        %sign3A_261 = arith.extui %sign3A_260 : i1 to i32
        %sign3A_262 = arith.subi %sign3A_258, %sign3A_261 : i32
        %ne3A_263 = arith.cmpi ne, %sign3A_255, %sign3A_262 : i32
        %rem3A_264 = arith.remsi %add3A_243, %jit3A_247 : i32
        %ne3A_265 = arith.constant 0 : i32
        %ne3A_266 = arith.cmpi ne, %rem3A_264, %ne3A_265 : i32
        %and3A_267 = arith.andi %ne3A_263, %ne3A_266 : i1
        %sub3A_268 = arith.constant 1 : i32
        %sub3A_269 = arith.subi %div3A_248, %sub3A_268 : i32
        %select_n3A_270 = arith.select %and3A_267, %sub3A_269, %div3A_248 : i32
        %mul3A_271 = arith.constant 16 : i32
        %mul3A_272 = arith.muli %select_n3A_270, %mul3A_271 : i32
        %add3A_273 = arith.addi %add3A_4, %mul3A_272 : i32
        %min3A_274 = arith.constant 6234 : i32
        %min3A_275 = arith.minsi %add3A_273, %min3A_274 : i32
        %sub3A_276 = arith.subi %add3A_246, %min3A_275 : i32
        %dma_start3A_277 = arith.constant 0 : i32
        %dma_start3A_278 = arith.constant 0 : i32
        %dma_start3A_279 = tpu.memref_slice %arg8[%sub3A_245, %dma_start3A_277, %dma_start3A_278] : memref<2x256x64xf32, #tpu.memory_space<vmem>> -> memref<1x256x64xf32, #tpu.memory_space<vmem>>
        %dma_start3A_280 = tpu.memref_squeeze %dma_start3A_279 : memref<1x256x64xf32, #tpu.memory_space<vmem>> -> memref<256x64xf32, #tpu.memory_space<vmem>>
        %dma_start3A_281 = arith.constant 0 : i32
        %dma_start3A_282 = arith.constant 0 : i32
        %dma_start3A_283 = tpu.memref_slice %dma_start3A_280[%dma_start3A_281, %dma_start3A_282] : memref<256x64xf32, #tpu.memory_space<vmem>> -> memref<128x64xf32, #tpu.memory_space<vmem>>
        %dma_start3A_284 = arith.constant 0 : i32
        %dma_start3A_285 = tpu.memref_slice %arg6[%sub3A_276, %dma_start3A_284] : memref<16x128xi32, #tpu.memory_space<vmem>> -> memref<1x128xi32, #tpu.memory_space<vmem>>
        %dma_start3A_286 = tpu.memref_squeeze %dma_start3A_285 : memref<1x128xi32, #tpu.memory_space<vmem>> -> memref<128xi32, #tpu.memory_space<vmem>>
        %dma_start3A_287 = arith.constant 0 : i32
        %dma_start3A_288 = arith.constant 0 : i32
        %dma_start3A_289 = tpu.memref_slice %arg2[%dma_start3A_287, %dma_start3A_288] : memref<50000x64xf32, #tpu.memory_space<hbm>> -> memref<50000x64xf32, #tpu.memory_space<hbm>>
        tpu.enqueue_indirect_dma source(%dma_start3A_289 : memref<50000x64xf32, #tpu.memory_space<hbm>>) target(%dma_start3A_283 : memref<128x64xf32, #tpu.memory_space<vmem>>) offsets(%dma_start3A_286 : memref<128xi32, #tpu.memory_space<vmem>>) semaphore(%arg11 : memref<!tpu.dma_semaphore, #tpu.memory_space<semaphore_mem>>)
        %dma_start3A_290 = arith.constant 0 : i32
        %dma_start3A_291 = arith.constant 0 : i32
        %dma_start3A_292 = tpu.memref_slice %arg8[%sub3A_245, %dma_start3A_290, %dma_start3A_291] : memref<2x256x64xf32, #tpu.memory_space<vmem>> -> memref<1x256x64xf32, #tpu.memory_space<vmem>>
        %dma_start3A_293 = tpu.memref_squeeze %dma_start3A_292 : memref<1x256x64xf32, #tpu.memory_space<vmem>> -> memref<256x64xf32, #tpu.memory_space<vmem>>
        %dma_start3A_294 = arith.constant 128 : i32
        %dma_start3A_295 = arith.constant 0 : i32
        %dma_start3A_296 = tpu.memref_slice %dma_start3A_293[%dma_start3A_294, %dma_start3A_295] : memref<256x64xf32, #tpu.memory_space<vmem>> -> memref<128x64xf32, #tpu.memory_space<vmem>>
        %dma_start3A_297 = arith.constant 0 : i32
        %dma_start3A_298 = tpu.memref_slice %arg7[%sub3A_276, %dma_start3A_297] : memref<16x128xi32, #tpu.memory_space<vmem>> -> memref<1x128xi32, #tpu.memory_space<vmem>>
        %dma_start3A_299 = tpu.memref_squeeze %dma_start3A_298 : memref<1x128xi32, #tpu.memory_space<vmem>> -> memref<128xi32, #tpu.memory_space<vmem>>
        %dma_start3A_300 = arith.constant 0 : i32
        %dma_start3A_301 = arith.constant 0 : i32
        %dma_start3A_302 = tpu.memref_slice %arg2[%dma_start3A_300, %dma_start3A_301] : memref<50000x64xf32, #tpu.memory_space<hbm>> -> memref<50000x64xf32, #tpu.memory_space<hbm>>
        tpu.enqueue_indirect_dma source(%dma_start3A_302 : memref<50000x64xf32, #tpu.memory_space<hbm>>) target(%dma_start3A_296 : memref<128x64xf32, #tpu.memory_space<vmem>>) offsets(%dma_start3A_299 : memref<128xi32, #tpu.memory_space<vmem>>) semaphore(%arg11 : memref<!tpu.dma_semaphore, #tpu.memory_space<semaphore_mem>>)
      } else {
      }
      %ge3A = arith.constant 2 : i32
      %ge3A_197 = arith.cmpi sge, %while3A_124, %ge3A : i32
      %convert_element_type3A_198 = arith.extui %ge3A_197 : i1 to i32
      %cond3A_199 = arith.constant 0 : i32
      %cond3A_200 = arith.cmpi ne, %convert_element_type3A_198, %cond3A_199 : i32
      scf.if %cond3A_200 {
        %dma_wait3A_219 = arith.constant 0 : i32
        %dma_wait3A_220 = arith.constant 0 : i32
        %dma_wait3A_221 = arith.constant 0 : i32
        %dma_wait3A_222 = tpu.memref_slice %arg9[%dma_wait3A_219, %dma_wait3A_220, %dma_wait3A_221] : memref<2x32x128xf32, #tpu.memory_space<vmem>> -> memref<1x32x128xf32, #tpu.memory_space<vmem>>
        %dma_wait3A_223 = tpu.memref_squeeze %dma_wait3A_222 : memref<1x32x128xf32, #tpu.memory_space<vmem>> -> memref<32x128xf32, #tpu.memory_space<vmem>>
        %dma_wait3A_224 = arith.constant 0 : i32
        %dma_wait3A_225 = arith.constant 0 : i32
        %dma_wait3A_226 = tpu.memref_slice %arg4[%dma_wait3A_224, %dma_wait3A_225] : memref<200000x128xf32, #tpu.memory_space<hbm>> -> memref<32x128xf32, #tpu.memory_space<hbm>>
        %dma_wait3A_227 = arith.constant 0 : i32
        %dma_wait3A_228 = arith.constant 0 : i32
        %dma_wait3A_229 = tpu.memref_slice %arg4[%dma_wait3A_227, %dma_wait3A_228] : memref<200000x128xf32, #tpu.memory_space<hbm>> -> memref<32x128xf32, #tpu.memory_space<hbm>>
        %dma_wait3A_230 = arith.constant 0 : i32
        %dma_wait3A_231 = arith.constant 0 : i32
        %dma_wait3A_232 = tpu.memref_slice %arg9[%dma_wait3A_219, %dma_wait3A_230, %dma_wait3A_231] : memref<2x32x128xf32, #tpu.memory_space<vmem>> -> memref<1x32x128xf32, #tpu.memory_space<vmem>>
        %dma_wait3A_233 = tpu.memref_squeeze %dma_wait3A_232 : memref<1x32x128xf32, #tpu.memory_space<vmem>> -> memref<32x128xf32, #tpu.memory_space<vmem>>
        tpu.wait_dma2 semaphore(%arg12 : memref<!tpu.dma_semaphore, #tpu.memory_space<semaphore_mem>>) src(%dma_wait3A_233 : memref<32x128xf32, #tpu.memory_space<vmem>>) dst(%dma_wait3A_229 : memref<32x128xf32, #tpu.memory_space<hbm>>)
      } else {
      }
      %parallel_loop3A = arith.constant 0 : i32
      %parallel_loop3A_201 = arith.constant 128 : i32
      %parallel_loop3A_202 = arith.constant 1 : i32
      %parallel_loop3A_203:2 = scf.for %parallel_loop3A_219 = %parallel_loop3A to %parallel_loop3A_201 step %parallel_loop3A_202 iter_args(%parallel_loop3A_220 = %while3A_125, %parallel_loop3A_221 = %while3A_126) -> (vector<16xf32>, vector<16xf32>)  : i32 {
        %parallel_loop3A_222 = arith.constant 128 : i32
        %parallel_loop3A_223 = arith.addi %parallel_loop3A_222, %parallel_loop3A_219 : i32
        %parallel_loop3A_224 = arith.index_cast %select_n3A_136 : i32 to index
        %parallel_loop3A_225 = arith.index_cast %parallel_loop3A_219 : i32 to index
        %parallel_loop3A_226 = arith.constant 0 : index
        %parallel_loop3A_227 = tpu.vector_load %arg8[%parallel_loop3A_224, %parallel_loop3A_225, %parallel_loop3A_226] {strides = array<i32>} : memref<2x256x64xf32, #tpu.memory_space<vmem>>, vector<1x1x16xf32>,
        %parallel_loop3A_228 = vector.shape_cast %parallel_loop3A_227 : vector<1x1x16xf32> to vector<16xf32>
        %parallel_loop3A_229 = arith.index_cast %select_n3A_136 : i32 to index
        %parallel_loop3A_230 = arith.index_cast %parallel_loop3A_219 : i32 to index
        %parallel_loop3A_231 = arith.constant 16 : index
        %parallel_loop3A_232 = tpu.vector_load %arg8[%parallel_loop3A_229, %parallel_loop3A_230, %parallel_loop3A_231] {strides = array<i32>} : memref<2x256x64xf32, #tpu.memory_space<vmem>>, vector<1x1x16xf32>,
        %parallel_loop3A_233 = vector.shape_cast %parallel_loop3A_232 : vector<1x1x16xf32> to vector<16xf32>
        %parallel_loop3A_234 = arith.index_cast %select_n3A_136 : i32 to index
        %parallel_loop3A_235 = arith.index_cast %parallel_loop3A_219 : i32 to index
        %parallel_loop3A_236 = arith.constant 32 : index
        %parallel_loop3A_237 = tpu.vector_load %arg8[%parallel_loop3A_234, %parallel_loop3A_235, %parallel_loop3A_236] {strides = array<i32>} : memref<2x256x64xf32, #tpu.memory_space<vmem>>, vector<1x1x16xf32>,
        %parallel_loop3A_238 = vector.shape_cast %parallel_loop3A_237 : vector<1x1x16xf32> to vector<16xf32>
        %parallel_loop3A_239 = arith.index_cast %select_n3A_136 : i32 to index
        %parallel_loop3A_240 = arith.index_cast %parallel_loop3A_219 : i32 to index
        %parallel_loop3A_241 = arith.constant 48 : index
        %parallel_loop3A_242 = tpu.vector_load %arg8[%parallel_loop3A_239, %parallel_loop3A_240, %parallel_loop3A_241] {strides = array<i32>} : memref<2x256x64xf32, #tpu.memory_space<vmem>>, vector<1x1x16xf32>,
        %parallel_loop3A_243 = vector.shape_cast %parallel_loop3A_242 : vector<1x1x16xf32> to vector<16xf32>
        %parallel_loop3A_244 = arith.index_cast %select_n3A_136 : i32 to index
        %parallel_loop3A_245 = arith.index_cast %parallel_loop3A_223 : i32 to index
        %parallel_loop3A_246 = arith.constant 0 : index
        %parallel_loop3A_247 = tpu.vector_load %arg8[%parallel_loop3A_244, %parallel_loop3A_245, %parallel_loop3A_246] {strides = array<i32>} : memref<2x256x64xf32, #tpu.memory_space<vmem>>, vector<1x1x16xf32>,
        %parallel_loop3A_248 = vector.shape_cast %parallel_loop3A_247 : vector<1x1x16xf32> to vector<16xf32>
        %parallel_loop3A_249 = arith.index_cast %select_n3A_136 : i32 to index
        %parallel_loop3A_250 = arith.index_cast %parallel_loop3A_223 : i32 to index
        %parallel_loop3A_251 = arith.constant 16 : index
        %parallel_loop3A_252 = tpu.vector_load %arg8[%parallel_loop3A_249, %parallel_loop3A_250, %parallel_loop3A_251] {strides = array<i32>} : memref<2x256x64xf32, #tpu.memory_space<vmem>>, vector<1x1x16xf32>,
        %parallel_loop3A_253 = vector.shape_cast %parallel_loop3A_252 : vector<1x1x16xf32> to vector<16xf32>
        %parallel_loop3A_254 = arith.index_cast %select_n3A_136 : i32 to index
        %parallel_loop3A_255 = arith.index_cast %parallel_loop3A_223 : i32 to index
        %parallel_loop3A_256 = arith.constant 32 : index
        %parallel_loop3A_257 = tpu.vector_load %arg8[%parallel_loop3A_254, %parallel_loop3A_255, %parallel_loop3A_256] {strides = array<i32>} : memref<2x256x64xf32, #tpu.memory_space<vmem>>, vector<1x1x16xf32>,
        %parallel_loop3A_258 = vector.shape_cast %parallel_loop3A_257 : vector<1x1x16xf32> to vector<16xf32>
        %parallel_loop3A_259 = arith.index_cast %select_n3A_136 : i32 to index
        %parallel_loop3A_260 = arith.index_cast %parallel_loop3A_223 : i32 to index
        %parallel_loop3A_261 = arith.constant 48 : index
        %parallel_loop3A_262 = tpu.vector_load %arg8[%parallel_loop3A_259, %parallel_loop3A_260, %parallel_loop3A_261] {strides = array<i32>} : memref<2x256x64xf32, #tpu.memory_space<vmem>>, vector<1x1x16xf32>,
        %parallel_loop3A_263 = vector.shape_cast %parallel_loop3A_262 : vector<1x1x16xf32> to vector<16xf32>
        %parallel_loop3A_264 = arith.addf %parallel_loop3A_228, %parallel_loop3A_258 : vector<16xf32>
        %parallel_loop3A_265 = arith.addf %parallel_loop3A_264, %parallel_loop3A_264 : vector<16xf32>
        %parallel_loop3A_266 = math.exp %parallel_loop3A_265 : vector<16xf32>
        %parallel_loop3A_267 = arith.constant 1.000000e+00 : f32
        %parallel_loop3A_268 = vector.broadcast %parallel_loop3A_267 : f32 to vector<16xf32>
        %parallel_loop3A_269 = arith.addf %parallel_loop3A_266, %parallel_loop3A_268 : vector<16xf32>
        %parallel_loop3A_270 = arith.constant 2.000000e+00 : f32
        %parallel_loop3A_271 = vector.broadcast %parallel_loop3A_270 : f32 to vector<16xf32>
        %parallel_loop3A_272 = arith.divf %parallel_loop3A_271, %parallel_loop3A_269 : vector<16xf32>
        %parallel_loop3A_273 = arith.constant 1.000000e+00 : f32
        %parallel_loop3A_274 = vector.broadcast %parallel_loop3A_273 : f32 to vector<16xf32>
        %parallel_loop3A_275 = arith.subf %parallel_loop3A_274, %parallel_loop3A_272 : vector<16xf32>
        %parallel_loop3A_276 = arith.addf %parallel_loop3A_248, %parallel_loop3A_238 : vector<16xf32>
        %parallel_loop3A_277 = arith.addf %parallel_loop3A_276, %parallel_loop3A_276 : vector<16xf32>
        %parallel_loop3A_278 = math.exp %parallel_loop3A_277 : vector<16xf32>
        %parallel_loop3A_279 = arith.constant 1.000000e+00 : f32
        %parallel_loop3A_280 = vector.broadcast %parallel_loop3A_279 : f32 to vector<16xf32>
        %parallel_loop3A_281 = arith.addf %parallel_loop3A_278, %parallel_loop3A_280 : vector<16xf32>
        %parallel_loop3A_282 = arith.constant 2.000000e+00 : f32
        %parallel_loop3A_283 = vector.broadcast %parallel_loop3A_282 : f32 to vector<16xf32>
        %parallel_loop3A_284 = arith.divf %parallel_loop3A_283, %parallel_loop3A_281 : vector<16xf32>
        %parallel_loop3A_285 = arith.constant 1.000000e+00 : f32
        %parallel_loop3A_286 = vector.broadcast %parallel_loop3A_285 : f32 to vector<16xf32>
        %parallel_loop3A_287 = arith.subf %parallel_loop3A_286, %parallel_loop3A_284 : vector<16xf32>
        %parallel_loop3A_288 = arith.addf %parallel_loop3A_275, %parallel_loop3A_287 : vector<16xf32>
        %parallel_loop3A_289 = arith.constant 5.000000e-01 : f32
        %parallel_loop3A_290 = vector.broadcast %parallel_loop3A_289 : f32 to vector<16xf32>
        %parallel_loop3A_291 = arith.mulf %parallel_loop3A_288, %parallel_loop3A_290 : vector<16xf32>
        %parallel_loop3A_292 = arith.addf %parallel_loop3A_233, %parallel_loop3A_263 : vector<16xf32>
        %parallel_loop3A_293 = arith.addf %parallel_loop3A_292, %parallel_loop3A_292 : vector<16xf32>
        %parallel_loop3A_294 = math.exp %parallel_loop3A_293 : vector<16xf32>
        %parallel_loop3A_295 = arith.constant 1.000000e+00 : f32
        %parallel_loop3A_296 = vector.broadcast %parallel_loop3A_295 : f32 to vector<16xf32>
        %parallel_loop3A_297 = arith.addf %parallel_loop3A_294, %parallel_loop3A_296 : vector<16xf32>
        %parallel_loop3A_298 = arith.constant 2.000000e+00 : f32
        %parallel_loop3A_299 = vector.broadcast %parallel_loop3A_298 : f32 to vector<16xf32>
        %parallel_loop3A_300 = arith.divf %parallel_loop3A_299, %parallel_loop3A_297 : vector<16xf32>
        %parallel_loop3A_301 = arith.constant 1.000000e+00 : f32
        %parallel_loop3A_302 = vector.broadcast %parallel_loop3A_301 : f32 to vector<16xf32>
        %parallel_loop3A_303 = arith.subf %parallel_loop3A_302, %parallel_loop3A_300 : vector<16xf32>
        %parallel_loop3A_304 = arith.addf %parallel_loop3A_253, %parallel_loop3A_243 : vector<16xf32>
        %parallel_loop3A_305 = arith.addf %parallel_loop3A_304, %parallel_loop3A_304 : vector<16xf32>
        %parallel_loop3A_306 = math.exp %parallel_loop3A_305 : vector<16xf32>
        %parallel_loop3A_307 = arith.constant 1.000000e+00 : f32
        %parallel_loop3A_308 = vector.broadcast %parallel_loop3A_307 : f32 to vector<16xf32>
        %parallel_loop3A_309 = arith.addf %parallel_loop3A_306, %parallel_loop3A_308 : vector<16xf32>
        %parallel_loop3A_310 = arith.constant 2.000000e+00 : f32
        %parallel_loop3A_311 = vector.broadcast %parallel_loop3A_310 : f32 to vector<16xf32>
        %parallel_loop3A_312 = arith.divf %parallel_loop3A_311, %parallel_loop3A_309 : vector<16xf32>
        %parallel_loop3A_313 = arith.constant 1.000000e+00 : f32
        %parallel_loop3A_314 = vector.broadcast %parallel_loop3A_313 : f32 to vector<16xf32>
        %parallel_loop3A_315 = arith.subf %parallel_loop3A_314, %parallel_loop3A_312 : vector<16xf32>
        %parallel_loop3A_316 = arith.addf %parallel_loop3A_303, %parallel_loop3A_315 : vector<16xf32>
        %parallel_loop3A_317 = arith.constant 5.000000e-01 : f32
        %parallel_loop3A_318 = vector.broadcast %parallel_loop3A_317 : f32 to vector<16xf32>
        %parallel_loop3A_319 = arith.mulf %parallel_loop3A_316, %parallel_loop3A_318 : vector<16xf32>
        %parallel_loop3A_320 = arith.constant 4 : i32
        %parallel_loop3A_321 = arith.divsi %parallel_loop3A_219, %parallel_loop3A_320 : i32
        %parallel_loop3A_322 = arith.constant 0 : i32
        %parallel_loop3A_323 = arith.cmpi sgt, %parallel_loop3A_219, %parallel_loop3A_322 : i32
        %parallel_loop3A_324 = arith.extui %parallel_loop3A_323 : i1 to i32
        %parallel_loop3A_325 = arith.constant 0 : i32
        %parallel_loop3A_326 = arith.cmpi slt, %parallel_loop3A_219, %parallel_loop3A_325 : i32
        %parallel_loop3A_327 = arith.extui %parallel_loop3A_326 : i1 to i32
        %parallel_loop3A_328 = arith.subi %parallel_loop3A_324, %parallel_loop3A_327 : i32
        %parallel_loop3A_329 = arith.constant 0 : i32
        %parallel_loop3A_330 = arith.cmpi sgt, %parallel_loop3A_320, %parallel_loop3A_329 : i32
        %parallel_loop3A_331 = arith.extui %parallel_loop3A_330 : i1 to i32
        %parallel_loop3A_332 = arith.constant 0 : i32
        %parallel_loop3A_333 = arith.cmpi slt, %parallel_loop3A_320, %parallel_loop3A_332 : i32
        %parallel_loop3A_334 = arith.extui %parallel_loop3A_333 : i1 to i32
        %parallel_loop3A_335 = arith.subi %parallel_loop3A_331, %parallel_loop3A_334 : i32
        %parallel_loop3A_336 = arith.cmpi ne, %parallel_loop3A_328, %parallel_loop3A_335 : i32
        %parallel_loop3A_337 = arith.remsi %parallel_loop3A_219, %parallel_loop3A_320 : i32
        %parallel_loop3A_338 = arith.constant 0 : i32
        %parallel_loop3A_339 = arith.cmpi ne, %parallel_loop3A_337, %parallel_loop3A_338 : i32
        %parallel_loop3A_340 = arith.andi %parallel_loop3A_336, %parallel_loop3A_339 : i1
        %parallel_loop3A_341 = arith.constant 1 : i32
        %parallel_loop3A_342 = arith.subi %parallel_loop3A_321, %parallel_loop3A_341 : i32
        %parallel_loop3A_343 = arith.select %parallel_loop3A_340, %parallel_loop3A_342, %parallel_loop3A_321 : i32
        %parallel_loop3A_344 = arith.constant 4 : i32
        %parallel_loop3A_345 = arith.constant 0 : i32
        %parallel_loop3A_346 = arith.cmpi eq, %parallel_loop3A_344, %parallel_loop3A_345 : i32
        %parallel_loop3A_347 = arith.constant 1 : i32
        %parallel_loop3A_348 = arith.select %parallel_loop3A_346, %parallel_loop3A_347, %parallel_loop3A_344 : i32
        %parallel_loop3A_349 = arith.remsi %parallel_loop3A_219, %parallel_loop3A_348 : i32
        %parallel_loop3A_350 = arith.constant 0 : i32
        %parallel_loop3A_351 = arith.cmpi ne, %parallel_loop3A_349, %parallel_loop3A_350 : i32
        %parallel_loop3A_352 = arith.constant 0 : i32
        %parallel_loop3A_353 = arith.cmpi slt, %parallel_loop3A_349, %parallel_loop3A_352 : i32
        %parallel_loop3A_354 = arith.constant 0 : i32
        %parallel_loop3A_355 = arith.cmpi slt, %parallel_loop3A_348, %parallel_loop3A_354 : i32
        %parallel_loop3A_356 = arith.xori %parallel_loop3A_353, %parallel_loop3A_355 : i1
        %parallel_loop3A_357 = arith.andi %parallel_loop3A_356, %parallel_loop3A_351 : i1
        %parallel_loop3A_358 = arith.addi %parallel_loop3A_349, %parallel_loop3A_348 : i32
        %parallel_loop3A_359 = arith.select %parallel_loop3A_357, %parallel_loop3A_358, %parallel_loop3A_349 : i32
        %parallel_loop3A_360 = arith.constant 32 : i32
        %parallel_loop3A_361 = arith.muli %parallel_loop3A_359, %parallel_loop3A_360 : i32
        %parallel_loop3A_362 = arith.index_cast %select_n3A_136 : i32 to index
        %parallel_loop3A_363 = arith.index_cast %parallel_loop3A_343 : i32 to index
        %parallel_loop3A_364 = arith.index_cast %parallel_loop3A_361 : i32 to index
        %parallel_loop3A_365 = tpu.vector_load %arg9[%parallel_loop3A_362, %parallel_loop3A_363, %parallel_loop3A_364] {strides = array<i32>} : memref<2x32x128xf32, #tpu.memory_space<vmem>>, vector<1x1x16xf32>,
        %parallel_loop3A_366 = vector.shape_cast %parallel_loop3A_365 : vector<1x1x16xf32> to vector<16xf32>
        %parallel_loop3A_367 = vector.shape_cast %parallel_loop3A_291 : vector<16xf32> to vector<1x1x16xf32>
        tpu.vector_store %arg9[%parallel_loop3A_362, %parallel_loop3A_363, %parallel_loop3A_364], %parallel_loop3A_367 {strides = array<i32>} : memref<2x32x128xf32, #tpu.memory_space<vmem>>, vector<1x1x16xf32>,
        %parallel_loop3A_368 = arith.constant 16 : i32
        %parallel_loop3A_369 = arith.addi %parallel_loop3A_361, %parallel_loop3A_368 : i32
        %parallel_loop3A_370 = arith.index_cast %select_n3A_136 : i32 to index
        %parallel_loop3A_371 = arith.index_cast %parallel_loop3A_343 : i32 to index
        %parallel_loop3A_372 = arith.index_cast %parallel_loop3A_369 : i32 to index
        %parallel_loop3A_373 = tpu.vector_load %arg9[%parallel_loop3A_370, %parallel_loop3A_371, %parallel_loop3A_372] {strides = array<i32>} : memref<2x32x128xf32, #tpu.memory_space<vmem>>, vector<1x1x16xf32>,
        %parallel_loop3A_374 = vector.shape_cast %parallel_loop3A_373 : vector<1x1x16xf32> to vector<16xf32>
        %parallel_loop3A_375 = vector.shape_cast %parallel_loop3A_319 : vector<16xf32> to vector<1x1x16xf32>
        tpu.vector_store %arg9[%parallel_loop3A_370, %parallel_loop3A_371, %parallel_loop3A_372], %parallel_loop3A_375 {strides = array<i32>} : memref<2x32x128xf32, #tpu.memory_space<vmem>>, vector<1x1x16xf32>,
        %parallel_loop3A_376 = arith.addf %parallel_loop3A_220, %parallel_loop3A_291 : vector<16xf32>
        %parallel_loop3A_377 = arith.addf %parallel_loop3A_221, %parallel_loop3A_319 : vector<16xf32>
        scf.yield %parallel_loop3A_376, %parallel_loop3A_377 : vector<16xf32>, vector<16xf32>
      } {sc.loop_unroll_factor = 8 : i64, sc.parallel_access}
      %mul3A_204 = arith.constant 32 : i32
      %mul3A_205 = arith.muli %while3A_124, %mul3A_204 : i32
      %add3A_206 = arith.addi %mul3A_9, %mul3A_205 : i32
      %dma_start3A_207 = arith.constant 0 : i32
      %dma_start3A_208 = arith.constant 0 : i32
      %dma_start3A_209 = tpu.memref_slice %arg9[%select_n3A_136, %dma_start3A_207, %dma_start3A_208] : memref<2x32x128xf32, #tpu.memory_space<vmem>> -> memref<1x32x128xf32, #tpu.memory_space<vmem>>
      %dma_start3A_210 = tpu.memref_squeeze %dma_start3A_209 : memref<1x32x128xf32, #tpu.memory_space<vmem>> -> memref<32x128xf32, #tpu.memory_space<vmem>>
      %dma_start3A_211 = arith.constant 0 : i32
      %dma_start3A_212 = tpu.memref_slice %arg4[%add3A_206, %dma_start3A_211] : memref<200000x128xf32, #tpu.memory_space<hbm>> -> memref<32x128xf32, #tpu.memory_space<hbm>>
      %dma_start3A_213 = arith.constant 0 : i32
      %dma_start3A_214 = tpu.memref_slice %arg4[%add3A_206, %dma_start3A_213] : memref<200000x128xf32, #tpu.memory_space<hbm>> -> memref<32x128xf32, #tpu.memory_space<hbm>>
      %dma_start3A_215 = arith.constant 0 : i32
      %dma_start3A_216 = arith.constant 0 : i32
      %dma_start3A_217 = tpu.memref_slice %arg9[%select_n3A_136, %dma_start3A_215, %dma_start3A_216] : memref<2x32x128xf32, #tpu.memory_space<vmem>> -> memref<1x32x128xf32, #tpu.memory_space<vmem>>
      %dma_start3A_218 = tpu.memref_squeeze %dma_start3A_217 : memref<1x32x128xf32, #tpu.memory_space<vmem>> -> memref<32x128xf32, #tpu.memory_space<vmem>>
      tpu.enqueue_dma source(%dma_start3A_218 : memref<32x128xf32, #tpu.memory_space<vmem>>) target(%dma_start3A_214 : memref<32x128xf32, #tpu.memory_space<hbm>>) target_semaphore(%arg12 : memref<!tpu.dma_semaphore, #tpu.memory_space<semaphore_mem>>)
      scf.yield %parallel_loop3A_203#0, %parallel_loop3A_203#1 : vector<16xf32>, vector<16xf32>
    }
    %dma_wait3A = arith.constant 0 : i32
    %dma_wait3A_62 = arith.constant 0 : i32
    %dma_wait3A_63 = arith.constant 0 : i32
    %dma_wait3A_64 = tpu.memref_slice %arg9[%dma_wait3A, %dma_wait3A_62, %dma_wait3A_63] : memref<2x32x128xf32, #tpu.memory_space<vmem>> -> memref<1x32x128xf32, #tpu.memory_space<vmem>>
    %dma_wait3A_65 = tpu.memref_squeeze %dma_wait3A_64 : memref<1x32x128xf32, #tpu.memory_space<vmem>> -> memref<32x128xf32, #tpu.memory_space<vmem>>
    %dma_wait3A_66 = arith.constant 0 : i32
    %dma_wait3A_67 = arith.constant 0 : i32
    %dma_wait3A_68 = tpu.memref_slice %arg4[%dma_wait3A_66, %dma_wait3A_67] : memref<200000x128xf32, #tpu.memory_space<hbm>> -> memref<32x128xf32, #tpu.memory_space<hbm>>
    %dma_wait3A_69 = arith.constant 0 : i32
    %dma_wait3A_70 = arith.constant 0 : i32
    %dma_wait3A_71 = tpu.memref_slice %arg4[%dma_wait3A_69, %dma_wait3A_70] : memref<200000x128xf32, #tpu.memory_space<hbm>> -> memref<32x128xf32, #tpu.memory_space<hbm>>
    %dma_wait3A_72 = arith.constant 0 : i32
    %dma_wait3A_73 = arith.constant 0 : i32
    %dma_wait3A_74 = tpu.memref_slice %arg9[%dma_wait3A, %dma_wait3A_72, %dma_wait3A_73] : memref<2x32x128xf32, #tpu.memory_space<vmem>> -> memref<1x32x128xf32, #tpu.memory_space<vmem>>
    %dma_wait3A_75 = tpu.memref_squeeze %dma_wait3A_74 : memref<1x32x128xf32, #tpu.memory_space<vmem>> -> memref<32x128xf32, #tpu.memory_space<vmem>>
    tpu.wait_dma2 semaphore(%arg12 : memref<!tpu.dma_semaphore, #tpu.memory_space<semaphore_mem>>) src(%dma_wait3A_75 : memref<32x128xf32, #tpu.memory_space<vmem>>) dst(%dma_wait3A_71 : memref<32x128xf32, #tpu.memory_space<hbm>>)
    %dma_wait3A_76 = arith.constant 0 : i32
    %dma_wait3A_77 = arith.constant 0 : i32
    %dma_wait3A_78 = arith.constant 0 : i32
    %dma_wait3A_79 = tpu.memref_slice %arg9[%dma_wait3A_76, %dma_wait3A_77, %dma_wait3A_78] : memref<2x32x128xf32, #tpu.memory_space<vmem>> -> memref<1x32x128xf32, #tpu.memory_space<vmem>>
    %dma_wait3A_80 = tpu.memref_squeeze %dma_wait3A_79 : memref<1x32x128xf32, #tpu.memory_space<vmem>> -> memref<32x128xf32, #tpu.memory_space<vmem>>
    %dma_wait3A_81 = arith.constant 0 : i32
    %dma_wait3A_82 = arith.constant 0 : i32
    %dma_wait3A_83 = tpu.memref_slice %arg4[%dma_wait3A_81, %dma_wait3A_82] : memref<200000x128xf32, #tpu.memory_space<hbm>> -> memref<32x128xf32, #tpu.memory_space<hbm>>
    %dma_wait3A_84 = arith.constant 0 : i32
    %dma_wait3A_85 = arith.constant 0 : i32
    %dma_wait3A_86 = tpu.memref_slice %arg4[%dma_wait3A_84, %dma_wait3A_85] : memref<200000x128xf32, #tpu.memory_space<hbm>> -> memref<32x128xf32, #tpu.memory_space<hbm>>
    %dma_wait3A_87 = arith.constant 0 : i32
    %dma_wait3A_88 = arith.constant 0 : i32
    %dma_wait3A_89 = tpu.memref_slice %arg9[%dma_wait3A_76, %dma_wait3A_87, %dma_wait3A_88] : memref<2x32x128xf32, #tpu.memory_space<vmem>> -> memref<1x32x128xf32, #tpu.memory_space<vmem>>
    %dma_wait3A_90 = tpu.memref_squeeze %dma_wait3A_89 : memref<1x32x128xf32, #tpu.memory_space<vmem>> -> memref<32x128xf32, #tpu.memory_space<vmem>>
    tpu.wait_dma2 semaphore(%arg12 : memref<!tpu.dma_semaphore, #tpu.memory_space<semaphore_mem>>) src(%dma_wait3A_90 : memref<32x128xf32, #tpu.memory_space<vmem>>) dst(%dma_wait3A_86 : memref<32x128xf32, #tpu.memory_space<hbm>>)
    %broadcast_in_dim3A_91 = arith.constant 0.000000e+00 : f32
    %broadcast_in_dim3A_92 = vector.broadcast %broadcast_in_dim3A_91 : f32 to vector<16xf32>
    %swap3A = arith.constant 0 : index
    %swap3A_93 = tpu.vector_load %arg10[%swap3A] {strides = array<i32>} : memref<128xf32, #tpu.memory_space<vmem>>, vector<16xf32>,
    %swap3A_94 = vector.shape_cast %swap3A_93 : vector<16xf32> to vector<16xf32>
    %swap3A_95 = vector.shape_cast %while3A_61#0 : vector<16xf32> to vector<16xf32>
    tpu.vector_store %arg10[%swap3A], %swap3A_95 {strides = array<i32>} : memref<128xf32, #tpu.memory_space<vmem>>, vector<16xf32>,
    %swap3A_96 = arith.constant 16 : index
    %swap3A_97 = tpu.vector_load %arg10[%swap3A_96] {strides = array<i32>} : memref<128xf32, #tpu.memory_space<vmem>>, vector<16xf32>,
    %swap3A_98 = vector.shape_cast %swap3A_97 : vector<16xf32> to vector<16xf32>
    %swap3A_99 = vector.shape_cast %while3A_61#1 : vector<16xf32> to vector<16xf32>
    tpu.vector_store %arg10[%swap3A_96], %swap3A_99 {strides = array<i32>} : memref<128xf32, #tpu.memory_space<vmem>>, vector<16xf32>,
    %swap3A_100 = arith.constant 32 : index
    %swap3A_101 = tpu.vector_load %arg10[%swap3A_100] {strides = array<i32>} : memref<128xf32, #tpu.memory_space<vmem>>, vector<16xf32>,
    %swap3A_102 = vector.shape_cast %swap3A_101 : vector<16xf32> to vector<16xf32>
    %swap3A_103 = vector.shape_cast %broadcast_in_dim3A_92 : vector<16xf32> to vector<16xf32>
    tpu.vector_store %arg10[%swap3A_100], %swap3A_103 {strides = array<i32>} : memref<128xf32, #tpu.memory_space<vmem>>, vector<16xf32>,
    %swap3A_104 = arith.constant 48 : index
    %swap3A_105 = tpu.vector_load %arg10[%swap3A_104] {strides = array<i32>} : memref<128xf32, #tpu.memory_space<vmem>>, vector<16xf32>,
    %swap3A_106 = vector.shape_cast %swap3A_105 : vector<16xf32> to vector<16xf32>
    %swap3A_107 = vector.shape_cast %broadcast_in_dim3A_92 : vector<16xf32> to vector<16xf32>
    tpu.vector_store %arg10[%swap3A_104], %swap3A_107 {strides = array<i32>} : memref<128xf32, #tpu.memory_space<vmem>>, vector<16xf32>,
    %swap3A_108 = arith.constant 64 : index
    %swap3A_109 = tpu.vector_load %arg10[%swap3A_108] {strides = array<i32>} : memref<128xf32, #tpu.memory_space<vmem>>, vector<16xf32>,
    %swap3A_110 = vector.shape_cast %swap3A_109 : vector<16xf32> to vector<16xf32>
    %swap3A_111 = vector.shape_cast %broadcast_in_dim3A_92 : vector<16xf32> to vector<16xf32>
    tpu.vector_store %arg10[%swap3A_108], %swap3A_111 {strides = array<i32>} : memref<128xf32, #tpu.memory_space<vmem>>, vector<16xf32>,
    %swap3A_112 = arith.constant 80 : index
    %swap3A_113 = tpu.vector_load %arg10[%swap3A_112] {strides = array<i32>} : memref<128xf32, #tpu.memory_space<vmem>>, vector<16xf32>,
    %swap3A_114 = vector.shape_cast %swap3A_113 : vector<16xf32> to vector<16xf32>
    %swap3A_115 = vector.shape_cast %broadcast_in_dim3A_92 : vector<16xf32> to vector<16xf32>
    tpu.vector_store %arg10[%swap3A_112], %swap3A_115 {strides = array<i32>} : memref<128xf32, #tpu.memory_space<vmem>>, vector<16xf32>,
    %swap3A_116 = arith.constant 96 : index
    %swap3A_117 = tpu.vector_load %arg10[%swap3A_116] {strides = array<i32>} : memref<128xf32, #tpu.memory_space<vmem>>, vector<16xf32>,
    %swap3A_118 = vector.shape_cast %swap3A_117 : vector<16xf32> to vector<16xf32>
    %swap3A_119 = vector.shape_cast %broadcast_in_dim3A_92 : vector<16xf32> to vector<16xf32>
    tpu.vector_store %arg10[%swap3A_116], %swap3A_119 {strides = array<i32>} : memref<128xf32, #tpu.memory_space<vmem>>, vector<16xf32>,
    %swap3A_120 = arith.constant 112 : index
    %swap3A_121 = tpu.vector_load %arg10[%swap3A_120] {strides = array<i32>} : memref<128xf32, #tpu.memory_space<vmem>>, vector<16xf32>,
    %swap3A_122 = vector.shape_cast %swap3A_121 : vector<16xf32> to vector<16xf32>
    %swap3A_123 = vector.shape_cast %broadcast_in_dim3A_92 : vector<16xf32> to vector<16xf32>
    tpu.vector_store %arg10[%swap3A_120], %swap3A_123 {strides = array<i32>} : memref<128xf32, #tpu.memory_space<vmem>>, vector<16xf32>,
    "tpu.region"() ({
      %run_scoped3A = tpu.sem_alloc : memref<!tpu.dma_semaphore, #tpu.memory_space<semaphore_mem>>
      %dma_start3A_124 = arith.constant 0 : i32
      %dma_start3A_125 = tpu.memref_slice %arg5[%add3A, %dma_start3A_124] : memref<32x128xf32, #tpu.memory_space<hbm>> -> memref<1x128xf32, #tpu.memory_space<hbm>>
      %dma_start3A_126 = tpu.memref_squeeze %dma_start3A_125 : memref<1x128xf32, #tpu.memory_space<hbm>> -> memref<128xf32, #tpu.memory_space<hbm>>
      %dma_start3A_127 = arith.constant 0 : i32
      %dma_start3A_128 = tpu.memref_slice %arg5[%add3A, %dma_start3A_127] : memref<32x128xf32, #tpu.memory_space<hbm>> -> memref<1x128xf32, #tpu.memory_space<hbm>>
      %dma_start3A_129 = tpu.memref_squeeze %dma_start3A_128 : memref<1x128xf32, #tpu.memory_space<hbm>> -> memref<128xf32, #tpu.memory_space<hbm>>
      tpu.enqueue_dma source(%arg10 : memref<128xf32, #tpu.memory_space<vmem>>) target(%dma_start3A_129 : memref<128xf32, #tpu.memory_space<hbm>>) target_semaphore(%run_scoped3A : memref<!tpu.dma_semaphore, #tpu.memory_space<semaphore_mem>>)
      %dma_wait3A_130 = arith.constant 0 : i32
      %dma_wait3A_131 = tpu.memref_slice %arg5[%add3A, %dma_wait3A_130] : memref<32x128xf32, #tpu.memory_space<hbm>> -> memref<1x128xf32, #tpu.memory_space<hbm>>
      %dma_wait3A_132 = tpu.memref_squeeze %dma_wait3A_131 : memref<1x128xf32, #tpu.memory_space<hbm>> -> memref<128xf32, #tpu.memory_space<hbm>>
      %dma_wait3A_133 = arith.constant 0 : i32
      %dma_wait3A_134 = tpu.memref_slice %arg5[%add3A, %dma_wait3A_133] : memref<32x128xf32, #tpu.memory_space<hbm>> -> memref<1x128xf32, #tpu.memory_space<hbm>>
      %dma_wait3A_135 = tpu.memref_squeeze %dma_wait3A_134 : memref<1x128xf32, #tpu.memory_space<hbm>> -> memref<128xf32, #tpu.memory_space<hbm>>
      tpu.wait_dma2 semaphore(%run_scoped3A : memref<!tpu.dma_semaphore, #tpu.memory_space<semaphore_mem>>) src(%arg10 : memref<128xf32, #tpu.memory_space<vmem>>) dst(%dma_wait3A_135 : memref<128xf32, #tpu.memory_space<hbm>>)
      tpu.yield
    }) : () -> ()
    return
  }
}

module attributes {stable_mosaic.version = 14 : i64} {
  func.func @_tc_body(%arg0: i32, %arg1: memref<32x512xf32, #tpu.memory_space<vmem>>, %arg2: memref<32x32xf32, #tpu.memory_space<vmem>>, %arg3: memref<32x1xf32, #tpu.memory_space<vmem>>, %arg4: memref<32x64xf32, #tpu.memory_space<vmem>>, %arg5: memref<1x64xf32, #tpu.memory_space<vmem>>, %arg6: memref<1x64xf32, #tpu.memory_space<vmem>>, %arg7: memref<64x64xf32, #tpu.memory_space<vmem>>, %arg8: memref<1x64xf32, #tpu.memory_space<vmem>>, %arg9: memref<64x32xf32, #tpu.memory_space<vmem>>, %arg10: memref<1x32xf32, #tpu.memory_space<vmem>>, %arg11: memref<512x64xf32, #tpu.memory_space<vmem>>, %arg12: memref<1x32xf32, #tpu.memory_space<vmem>>) attributes {dimension_semantics = [#tpu.dimension_semantics<arbitrary>], iteration_bounds = array<i64: 98>, scalar_prefetch = 0 : i64, scratch_operands = 0 : i64, tpu.core_type = #tpu.core_type<tc>, window_params = [{transform_indices = @transform_0, window_bounds = array<i64: 32, 512>}, {pipeline_mode = #tpu.pipeline_mode<synchronous>, transform_indices = @transform_1, window_bounds = array<i64: 32, 32>}, {pipeline_mode = #tpu.pipeline_mode<synchronous>, transform_indices = @transform_2, window_bounds = array<i64: 32, 1>}, {pipeline_mode = #tpu.pipeline_mode<synchronous>, transform_indices = @transform_3, window_bounds = array<i64: 32, 64>}, {pipeline_mode = #tpu.pipeline_mode<synchronous>, transform_indices = @transform_4, window_bounds = array<i64: 1, 64>}, {pipeline_mode = #tpu.pipeline_mode<synchronous>, transform_indices = @transform_5, window_bounds = array<i64: 1, 64>}, {pipeline_mode = #tpu.pipeline_mode<synchronous>, transform_indices = @transform_6, window_bounds = array<i64: 64, 64>}, {pipeline_mode = #tpu.pipeline_mode<synchronous>, transform_indices = @transform_7, window_bounds = array<i64: 1, 64>}, {pipeline_mode = #tpu.pipeline_mode<synchronous>, transform_indices = @transform_8, window_bounds = array<i64: 64, 32>}, {pipeline_mode = #tpu.pipeline_mode<synchronous>, transform_indices = @transform_9, window_bounds = array<i64: 1, 32>}, {transform_indices = @transform_10, window_bounds = array<i64: 512, 64>}, {pipeline_mode = #tpu.pipeline_mode<synchronous>, transform_indices = @transform_11, window_bounds = array<i64: 1, 32>}]} {
    %get3A = arith.constant 0 : index
    %get3A_0 = arith.constant 0 : index
    %get3A_1 = vector.load %arg2[%get3A, %get3A_0] : memref<32x32xf32, #tpu.memory_space<vmem>>, vector<32x32xf32>
    %get3A_2 = arith.constant 0 : index
    %get3A_3 = arith.constant 0 : index
    %get3A_4 = vector.load %arg1[%get3A_2, %get3A_3] : memref<32x512xf32, #tpu.memory_space<vmem>>, vector<32x512xf32>
    %dot_general3A = arith.constant dense<0.000000e+00> : vector<32x512xf32>
    %dot_general3A_5 = tpu.matmul %get3A_1, %get3A_4, %dot_general3A {dimension_numbers = #tpu.dot_dimension_numbers<[0], [0], [1], [1], [0, 1, 1, 1], [], []>, transpose_lhs_hint = false} : vector<32x32xf32>, vector<32x512xf32>, vector<32x512xf32> -> vector<32x512xf32>
    %get3A_6 = arith.constant 0 : index
    %get3A_7 = arith.constant 0 : index
    %get3A_8 = vector.load %arg3[%get3A_6, %get3A_7] : memref<32x1xf32, #tpu.memory_space<vmem>>, vector<32x1xf32>
    %add3A = vector.broadcast %get3A_8 : vector<32x1xf32> to vector<32x512xf32>
    %add3A_9 = arith.addf %dot_general3A_5, %add3A : vector<32x512xf32>
    %tanh3A = math.tanh %add3A_9 : vector<32x512xf32>
    %get3A_10 = arith.constant 0 : index
    %get3A_11 = arith.constant 0 : index
    %get3A_12 = vector.load %arg4[%get3A_10, %get3A_11] : memref<32x64xf32, #tpu.memory_space<vmem>>, vector<32x64xf32>
    %dot_general3A_13 = arith.constant dense<0.000000e+00> : vector<512x64xf32>
    %dot_general3A_14 = tpu.matmul %tanh3A, %get3A_12, %dot_general3A_13 {dimension_numbers = #tpu.dot_dimension_numbers<[0], [0], [1], [1], [0, 1, 1, 1], [], []>, transpose_lhs_hint = false} : vector<32x512xf32>, vector<32x64xf32>, vector<512x64xf32> -> vector<512x64xf32>
    %get3A_15 = arith.constant 0 : index
    %get3A_16 = arith.constant 0 : index
    %get3A_17 = vector.load %arg5[%get3A_15, %get3A_16] : memref<1x64xf32, #tpu.memory_space<vmem>>, vector<1x64xf32>
    %add3A_18 = vector.broadcast %get3A_17 : vector<1x64xf32> to vector<512x64xf32>
    %add3A_19 = arith.addf %dot_general3A_14, %add3A_18 : vector<512x64xf32>
    %swap3A = arith.constant 0 : index
    %swap3A_20 = arith.constant 0 : index
    %swap3A_21 = vector.load %arg11[%swap3A, %swap3A_20] : memref<512x64xf32, #tpu.memory_space<vmem>>, vector<512x64xf32>
    tpu.vector_store %arg11[%swap3A, %swap3A_20], %add3A_19 {strides = array<i32>} : memref<512x64xf32, #tpu.memory_space<vmem>>, vector<512x64xf32>,
    %eq3A = arith.constant 0 : i32
    %eq3A_22 = arith.cmpi eq, %arg0, %eq3A : i32
    %convert_element_type3A = arith.extui %eq3A_22 : i1 to i32
    %cond3A = arith.constant 0 : i32
    %cond3A_23 = arith.cmpi ne, %convert_element_type3A, %cond3A : i32
    scf.if %cond3A_23 {
      %get3A_24 = arith.constant 0 : index
      %get3A_25 = arith.constant 0 : index
      %get3A_26 = vector.load %arg6[%get3A_24, %get3A_25] : memref<1x64xf32, #tpu.memory_space<vmem>>, vector<1x64xf32>
      %get3A_27 = arith.constant 0 : index
      %get3A_28 = arith.constant 0 : index
      %get3A_29 = vector.load %arg7[%get3A_27, %get3A_28] : memref<64x64xf32, #tpu.memory_space<vmem>>, vector<64x64xf32>
      %dot_general3A_30 = arith.constant dense<0.000000e+00> : vector<1x64xf32>
      %dot_general3A_31 = tpu.matmul %get3A_26, %get3A_29, %dot_general3A_30 {dimension_numbers = #tpu.dot_dimension_numbers<[1], [0], [0], [1], [0, 0, 1, 1], [], []>, transpose_lhs_hint = false} : vector<1x64xf32>, vector<64x64xf32>, vector<1x64xf32> -> vector<1x64xf32>
      %get3A_32 = arith.constant 0 : index
      %get3A_33 = arith.constant 0 : index
      %get3A_34 = vector.load %arg8[%get3A_32, %get3A_33] : memref<1x64xf32, #tpu.memory_space<vmem>>, vector<1x64xf32>
      %add3A_35 = arith.addf %dot_general3A_31, %get3A_34 : vector<1x64xf32>
      %tanh3A_36 = math.tanh %add3A_35 : vector<1x64xf32>
      %get3A_37 = arith.constant 0 : index
      %get3A_38 = arith.constant 0 : index
      %get3A_39 = vector.load %arg9[%get3A_37, %get3A_38] : memref<64x32xf32, #tpu.memory_space<vmem>>, vector<64x32xf32>
      %dot_general3A_40 = arith.constant dense<0.000000e+00> : vector<1x32xf32>
      %dot_general3A_41 = tpu.matmul %tanh3A_36, %get3A_39, %dot_general3A_40 {dimension_numbers = #tpu.dot_dimension_numbers<[1], [0], [0], [1], [0, 0, 1, 1], [], []>, transpose_lhs_hint = false} : vector<1x64xf32>, vector<64x32xf32>, vector<1x32xf32> -> vector<1x32xf32>
      %get3A_42 = arith.constant 0 : index
      %get3A_43 = arith.constant 0 : index
      %get3A_44 = vector.load %arg10[%get3A_42, %get3A_43] : memref<1x32xf32, #tpu.memory_space<vmem>>, vector<1x32xf32>
      %add3A_45 = arith.addf %dot_general3A_41, %get3A_44 : vector<1x32xf32>
      %tanh3A_46 = math.tanh %add3A_45 : vector<1x32xf32>
      %swap3A_47 = arith.constant 0 : index
      %swap3A_48 = arith.constant 0 : index
      %swap3A_49 = vector.load %arg12[%swap3A_47, %swap3A_48] : memref<1x32xf32, #tpu.memory_space<vmem>>, vector<1x32xf32>
      tpu.vector_store %arg12[%swap3A_47, %swap3A_48], %tanh3A_46 {strides = array<i32>} : memref<1x32xf32, #tpu.memory_space<vmem>>, vector<1x32xf32>,
    } else {
    }
    return
  }
  func.func @transform_0(%arg0: i32) -> (i32, i32) {
    %c0_i32 = arith.constant 0 : i32
    %c0_i32_0 = arith.constant 0 : i32
    return %c0_i32, %arg0 : i32, i32
  }
  func.func @transform_1(%arg0: i32) -> (i32, i32) {
    %c0_i32 = arith.constant 0 : i32
    %c0_i32_0 = arith.constant 0 : i32
    %c0_i32_1 = arith.constant 0 : i32
    return %c0_i32, %c0_i32_0 : i32, i32
  }
  func.func @transform_2(%arg0: i32) -> (i32, i32) {
    %c0_i32 = arith.constant 0 : i32
    %c0_i32_0 = arith.constant 0 : i32
    %c0_i32_1 = arith.constant 0 : i32
    return %c0_i32, %c0_i32_0 : i32, i32
  }
  func.func @transform_3(%arg0: i32) -> (i32, i32) {
    %c0_i32 = arith.constant 0 : i32
    %c0_i32_0 = arith.constant 0 : i32
    %c0_i32_1 = arith.constant 0 : i32
    return %c0_i32, %c0_i32_0 : i32, i32
  }
  func.func @transform_4(%arg0: i32) -> (i32, i32) {
    %c0_i32 = arith.constant 0 : i32
    %c0_i32_0 = arith.constant 0 : i32
    %c0_i32_1 = arith.constant 0 : i32
    return %c0_i32, %c0_i32_0 : i32, i32
  }
  func.func @transform_5(%arg0: i32) -> (i32, i32) {
    %c0_i32 = arith.constant 0 : i32
    %c0_i32_0 = arith.constant 0 : i32
    %c0_i32_1 = arith.constant 0 : i32
    return %c0_i32, %c0_i32_0 : i32, i32
  }
  func.func @transform_6(%arg0: i32) -> (i32, i32) {
    %c0_i32 = arith.constant 0 : i32
    %c0_i32_0 = arith.constant 0 : i32
    %c0_i32_1 = arith.constant 0 : i32
    return %c0_i32, %c0_i32_0 : i32, i32
  }
  func.func @transform_7(%arg0: i32) -> (i32, i32) {
    %c0_i32 = arith.constant 0 : i32
    %c0_i32_0 = arith.constant 0 : i32
    %c0_i32_1 = arith.constant 0 : i32
    return %c0_i32, %c0_i32_0 : i32, i32
  }
  func.func @transform_8(%arg0: i32) -> (i32, i32) {
    %c0_i32 = arith.constant 0 : i32
    %c0_i32_0 = arith.constant 0 : i32
    %c0_i32_1 = arith.constant 0 : i32
    return %c0_i32, %c0_i32_0 : i32, i32
  }
  func.func @transform_9(%arg0: i32) -> (i32, i32) {
    %c0_i32 = arith.constant 0 : i32
    %c0_i32_0 = arith.constant 0 : i32
    %c0_i32_1 = arith.constant 0 : i32
    return %c0_i32, %c0_i32_0 : i32, i32
  }
  func.func @transform_10(%arg0: i32) -> (i32, i32) {
    %c0_i32 = arith.constant 0 : i32
    %c0_i32_0 = arith.constant 0 : i32
    return %arg0, %c0_i32 : i32, i32
  }
  func.func @transform_11(%arg0: i32) -> (i32, i32) {
    %c0_i32 = arith.constant 0 : i32
    %c0_i32_0 = arith.constant 0 : i32
    %c0_i32_1 = arith.constant 0 : i32
    return %c0_i32, %c0_i32_0 : i32, i32
  }
}

</mosaic_0001>

<sc_bundles>
// kernel: kernel.4.cloned.1.call-start
scs
__scs_entry_jumppad:
0x0: {  	(pc) =	sbr.rel $0x88, $3  }
0x1: {  	(tag) =	ssettag $0x0;
	lr =	simm.s32 $0x1  }
0x2: {  	[smem:$0x3F94] =	sst lr;
	_ =	strace $0xD0000000  }
0x3: {  	_ = 	snop  }
0x4: {  	_ = 	snop  }
0x5: {  	_ = 	snop  }
0x6: {  	_ = 	snop  }
0x7: {  	_ = 	snop  }
__scs_overlays_trampoline_lowered:
0x8: {  	[smem:$0x3FA3] =	sst s0  }
0x9: {  	[smem:$0x3FA4] =	sst s1  }
0xa: {  	[smem:$0x3FA5] =	sst s2  }
0xb: {  	[smem:$0x3FA6] =	sst s3  }
0xc: {  	[smem:$0x3FA7] =	sst s4  }
0xd: {  	[smem:$0x3FA8] =	sst s5  }
0xe: {  	[smem:$0x3FA9] =	sst s6  }
0xf: {  	[smem:$0x3FAA] =	sst s7  }
0x10: {  	[smem:$0x3FAB] =	sst s8  }
0x11: {  	[smem:$0x3FAC] =	sst s9;
	s0 =	simm.s32 @!p0 $0x0  }
0x12: {  	s1 =	sld [smem:$0x3F92];
	s0 =	simm.s32 @p0 $0x1  }
0x13: {  	[smem:$0x3FAD] =	sst s0;
	s0 =	simm.s32 @!p1 $0x0  }
0x14: {  	s2 =	sld [smem:$0x3F91];
	s0 =	simm.s32 @p1 $0x1  }
0x15: {  	[smem:$0x3FAE] =	sst s0;
	s0 =	simm.s32 @!p2 $0x0  }
0x16: {  	s3 =	sld [smem:$0x3FDB];
	s0 =	simm.s32 @p2 $0x1  }
0x17: {  	s4 =	simm.s32 $0x1BF5;
	[smem:$0x3FB0] =	sst s0  }
0x18: {  	s0 =	sld [smem:$0x3F93];
	_ =	swait.ge [sflag:s4], $0x0  }
0x19: {  	s7 =	sld [smem:$0x3F94]  }
0x1a: {  	s8 =	sadd.s32 $0xFFFFE003, lr  }
0x1b: {  	s9 =	sadd.s32 $0xFFFFFEF7, lr;
	s5 =	simm.s32 $0xFFFFFFFF;
	p2 =	slt.u32 s8, $0xFFFFF086  }
0x1c: {  	p1 =	slt.u32 s9, $0xF7A;
	s5 =	simm.s32 @!p2 $0x0  }
0x1d: {  	s5 =	simm.s32 @p1 $0x1;
	p0 =	seq.s32 s7, s2  }
0x1e: {  	s7 =	smul.u32 @!p0 $0xF7A, s2;
	p2 =	seq.s32 @!p0 s5, $0x0  }
0x1f: {  	s9 =	smul.u32 $0xF7A, s1;
	s8 =	simm.s32 @!p0 $0x1BF5;
	p2 =	por !p2, p0  }
0x20: {  	[sflag:s8] =	ssyncset.s32 @!p0 $0xFFFFF086;
	s6 =	sadd.s32 @!p0 s3, s7;
	s7 =	simm.s32 @!p0 $0x108  }
0x21: {  	s3 =	sadd.s32 s3, s9;
	s6 =	sadd.s32 @!p0 $0x88, s6;
	s7 =	simm.s32 @p2 $0x1082  }
0x22: {  	[simem:s7], [sflag:s8] =	dma.local @!p0 [hbm:s6], $0xF7A  }
0x23: {  	s9 =	sor.u32 $0xD0000000, s2;
	s6 =	simm.s32 $0x108;
	_ =	swait.ge @!p0 [sflag:s8], $0x0  }
0x24: {  	s3 =	sadd.s32 $0x88, s3;
	s6 =	simm.s32 @!p1 $0x1082;
	[sflag:s4] =	ssyncset.s32 $0xFFFFF086  }
0x25: {  	[simem:s6], [sflag:s4] =	dma.local [hbm:s3], $0xF7A  }
0x26: {  	[smem:$0x3F94] =	sst s1;
	(tag) =	ssettag s2;
	_ =	strace s9  }
0x27: {  	s1 =	sld [smem:$0x3FA4]  }
0x28: {  	s2 =	sld [smem:$0x3FA5]  }
0x29: {  	s4 =	sld [smem:$0x3FA7]  }
0x2a: {  	p0 =	seq.s32 s5, $0x0;
	s5 =	sld [smem:$0x3FA8]  }
0x2b: {  	s6 =	sld [smem:$0x3FA9]  }
0x2c: {  	s7 =	sld [smem:$0x3FAA]  }
0x2d: {  	s3 =	simm.s32 $0x108;
	s8 =	sld [smem:$0x3FAB]  }
0x2e: {  	s3 =	simm.s32 @!p0 $0x1082;
	s9 =	sld [smem:$0x3FAC]  }
0x2f: {  	lr =	sadd.s32 s0, s3;
	s0 =	sld [smem:$0x3FA3]  }
0x30: {  	s3 =	sld [smem:$0x3FA6]  }
0x31: {  	[smem:$0x3FAF] =	sst s10  }
0x32: {  	s10 =	sld [smem:$0x3FAD];
	_ =	sdelay $0x3  }
0x33: {  	p0 =	seq.s32 s10, $0x1;
	s10 =	sld [smem:$0x3FAF];
	_ =	sdelay $0x3  }
0x34: {  	[smem:$0x3FAF] =	sst s10  }
0x35: {  	s10 =	sld [smem:$0x3FAE];
	_ =	sdelay $0x3  }
0x36: {  	p1 =	seq.s32 s10, $0x1;
	s10 =	sld [smem:$0x3FAF];
	_ =	sdelay $0x3  }
0x37: {  	[smem:$0x3FAF] =	sst s10  }
0x38: {  	s10 =	sld [smem:$0x3FB0]  }
0x39: {  	_ = 	snop;
	(pc) =	sbr.ind lr, $3  }
0x3a: {  	_ = 	snop  }
0x3b: {  	_ = 	snop  }
0x3c: {  	p2 =	seq.s32 s10, $0x1;
	s10 =	sld [smem:$0x3FAF]  }
0x3d: {  	_ =	shalt  }
0x3e: {  	_ =	shalt  }
0x3f: {  	_ =	shalt  }
0x40: {  	_ =	shalt  }
0x41: {  	_ =	shalt  }
0x42: {  	_ =	shalt  }
0x43: {  	_ =	shalt  }
0x44: {  	_ =	shalt  }
0x45: {  	_ =	shalt  }
0x46: {  	_ =	shalt  }
0x47: {  	_ =	shalt  }
0x48: {  	_ =	shalt  }
0x49: {  	_ =	shalt  }
0x4a: {  	_ =	shalt  }
0x4b: {  	_ =	shalt  }
0x4c: {  	_ =	shalt  }
0x4d: {  	_ =	shalt  }
0x4e: {  	_ =	shalt  }
0x4f: {  	_ =	shalt  }
0x50: {  	_ =	shalt  }
0x51: {  	_ =	shalt  }
0x52: {  	_ =	shalt  }
0x53: {  	_ =	shalt  }
0x54: {  	_ =	shalt  }
0x55: {  	_ =	shalt  }
0x56: {  	_ =	shalt  }
0x57: {  	_ =	shalt  }
0x58: {  	_ =	shalt  }
0x59: {  	_ =	shalt  }
0x5a: {  	_ =	shalt  }
0x5b: {  	_ =	shalt  }
0x5c: {  	_ =	shalt  }
0x5d: {  	_ =	shalt  }
0x5e: {  	_ =	shalt  }
0x5f: {  	_ =	shalt  }
0x60: {  	_ =	shalt  }
0x61: {  	_ =	shalt  }
0x62: {  	_ =	shalt  }
0x63: {  	_ =	shalt  }
0x64: {  	_ =	shalt  }
0x65: {  	_ =	shalt  }
0x66: {  	_ =	shalt  }
0x67: {  	_ =	shalt  }
0x68: {  	_ =	shalt  }
0x69: {  	_ =	shalt  }
0x6a: {  	_ =	shalt  }
0x6b: {  	_ =	shalt  }
0x6c: {  	_ =	shalt  }
0x6d: {  	_ =	shalt  }
0x6e: {  	_ =	shalt  }
0x6f: {  	_ =	shalt  }
0x70: {  	_ =	shalt  }
0x71: {  	_ =	shalt  }
0x72: {  	_ =	shalt  }
0x73: {  	_ =	shalt  }
0x74: {  	_ =	shalt  }
0x75: {  	_ =	shalt  }
0x76: {  	_ =	shalt  }
0x77: {  	_ =	shalt  }
0x78: {  	_ =	shalt  }
0x79: {  	_ =	shalt  }
0x7a: {  	_ =	shalt  }
0x7b: {  	_ =	shalt  }
0x7c: {  	_ =	shalt  }
0x7d: {  	_ =	shalt  }
0x7e: {  	_ =	shalt  }
0x7f: {  	_ =	shalt  }
0x80: {  	_ =	shalt  }
0x81: {  	_ =	shalt  }
0x82: {  	_ =	shalt  }
0x83: {  	_ =	shalt  }
0x84: {  	_ =	shalt  }
0x85: {  	_ =	shalt  }
0x86: {  	_ =	shalt  }
0x87: {  	_ =	shalt  }
.Lfunc_end0:
.L_simem_size_0:
called_computation.1_lowered:
.L_overlay_start_0:
0x88: {  	s2 =	sld [smem:$0x3FD9]  }
0x89: {  	s3 =	sld [smem:$0x3FFE];
	_ =	sdelay $0x1  }
0x8a: {  	s1 =	srdreg.scid  }
0x8b: {  	s0 =	sand.u32 $0x1, s1  }
0x8c: {  	s14 =	sshll.u32 s0, $0xA;
	s2 =	sadd.s32 s3, s2  }
0x8d: {  	s2 =	sadd.s32 s2, s14  }
0x8e: {  	[smem:$0x3FBB] =	sst s2  }
0x8f: {  	_ = 	snop  }
0x90: {  	s2 =	sld [smem:$0x3FD0];
	_ =	sdelay $0x2  }
0x91: {  	s15 =	simm.s32 $0xA;
	s4 =	simm.s32 $0x10  }
0x92: {  	[smem:s4], [sflag:s15] =	dma.local [hbm:s2], $0x1  }
0x93: {  	_ =	swait.eq [sflag:s15], $0x1  }
0x94: {  	[sflag:s15] =	ssyncset.done $0x0  }
0x95: {  	s16 =	sld [smem:$0x10];
	[sflag:s15] =	ssyncadd.s32 $0xFFFFFFFF  }
0x96: {  	s17 =	sld [smem:$0x12];
	(tm) =	ssettm $0x1  }
0x97: {  	s18 =	sld [smem:$0x3FFB];
	_ =	sdelay $0x3  }
0x98: {  	_ =	strace s18  }
0x99: {  	s4 =	sld [smem:$0x3FFC];
	_ =	sdelay $0x3  }
0x9a: {  	_ =	strace s4  }
0x9b: {  	s4 =	sld [smem:$0x3FFD];
	_ =	sdelay $0x3  }
0x9c: {  	_ =	strace s4  }
0x9d: {  	_ =	strace $0x8FFFFFFF  }
0x9e: {  	s19 =	sld [smem:$0x3FDB];
	_ =	sdelay $0x1  }
0x9f: {  	s5 =	simm.s32 $_scs_section_size  }
0xa0: {  	s6 =	simm.s32 $_size__tile_overlayer_lowered;
	s7 =	simm.s32 $_tile_overlayer_lowered  }
0xa1: {  	s22 =	simm.s32 $0x1BFF;
	s21 =	sshll.u32 s7, $0x1;
	s4 =	sadd.s32 s5, s19  }
0xa2: {  	s8 =	simm.s32 $0x0;
	s20 =	sshll.u32 s6, $0x1;
	s6 =	sadd.s32 s21, s4  }
0xa3: {  	[timem:s8], [sflag:s22] =	dma.local [hbm:s6], s20  }
0xa4: {  	_ =	swait.ge [sflag:s22], s20  }
0xa5: {  	s5 =	ssub.s32 $0x0, s20;
	[sflag:s22] =	ssyncset.done $0x0  }
0xa6: {  	[sflag:s22] =	ssyncadd.s32 s5;
	_ =	sdelay $0x1  }
0xa7: {  	s23 =	simm.s32 $0x1B8B  }
0xa8: {  	_ =	swait.ge [sflag:s23], $0x1  }
0xa9: {  	[sflag:s23] =	ssyncset.done $0x0  }
0xaa: {  	s25 =	simm.s32 $0x1B8E;
	s24 =	sld [smem:$0x3FFE];
	[sflag:s23] =	ssyncadd.s32 $0xFFFFFFFF  }
0xab: {  	s26 =	simm.s32 $execute0_lowered;
	[smem:$0x3FD2] =	sst s25  }
0xac: {  	s6 =	sshll.u32 s26, $0x1;
	_ =	strace $0x80000046;
	[dreg:$0x1] =	wrdreg $0xFFFFFFFF  }
0xad: {  	s28 =	simm.s32 $_size_execute0_lowered;
	s4 =	sadd.s32 s4, s6;
	[dreg:$0x0] =	wrdreg $0x0  }
0xae: {  	s6 =	sshll.u32 s28, $0x1;
	[dreg:$0x2] =	wrdreg s4  }
0xaf: {  	[dreg:$0x3] =	wrdreg s6  }
0xb0: {  	[dreg:$0x4] =	wrdreg $0xC0  }
0xb1: {  	_ =	task [dreg:s8], $0x5FFFF  }
0xb2: {  	[dreg:$0x1] =	wrdreg $0xFFFFFFFF  }
0xb3: {  	[dreg:$0x0] =	wrdreg $0x60  }
0xb4: {  	[dreg:$0x2] =	wrdreg s24  }
0xb5: {  	[dreg:$0x3] =	wrdreg s16  }
0xb6: {  	[dreg:$0x4] =	wrdreg s17  }
0xb7: {  	[dreg:$0x5] =	wrdreg $0x9  }
0xb8: {  	_ =	task.clear_ibuf [dreg:s8], $0x6FFFF;
	_ =	strace $0x90000046  }
0xb9: {  	s29 =	simm.s32 $0x9;
	_ =	strace $0x80000048  }
0xba: {  	_ =	swait.ge [sflag:s29], $0x1  }
0xbb: {  	[sflag:s29] =	ssyncadd.s32 $0xFFFFFFFF  }
0xbc: {  	_ =	strace $0x90000048  }
0xbd: {  	_ =	sfence  }
0xbe: {  	s30 =	sld [smem:$0x0];
	_ =	sdelay $0x2  }
0xbf: {  	s31 =	sshll.u32 s1, $0xD;
	s1 =	sshrl.u32 s1, $0x2  }
0xc0: {  	s3 =	sand.u32 $0x4000, s31;
	s1 =	sadd.s32 s1, s30  }
0xc1: {  	s0 =	sor.u32 s3, s0;
	s1 =	sshll.u32 s1, $0x11  }
0xc2: {  	s0 =	sor.u32 s1, s0  }
0xc3: {  	s0 =	sadd.s32 $0x8F2B, s0  }
0xc4: {  	[sflag:s0] =	ssyncadd.remote.s32 $0x1  }
0xc5: {  	_ =	sfence.sel $0xFFFF  }
0xc6: {  	[dreg:$0x0] =	wrdreg $0xFFFFFFFF;
	(pc) =	sbr.abs _section_cstart, $3  }
0xc7: {  	[dreg:$0x1] =	wrdreg $0xFFFFFFFF  }
0xc8: {  	_ =	task.clear_ibuf [dreg:s8], $0x2FFFF;
	_ =	strace $0x9FFFFFFF  }
0xc9: {  	(tm) =	ssettm $0x7FFFFFFF  }
tec
execute0_lowered:
.L_overlay_start_1:
0x0: {  	(tag) =	ssettag $0x1  }
0x1: {  	s9 =	rddreg [dreg:$0x0]  }
0x2: {  	s1 =	rddreg [dreg:$0x1]  }
0x3: {  	s11 =	rddreg [dreg:$0x2]  }
0x4: {  	s2 =	srdreg.scid;
	s0 =	rddreg [dreg:$0x3];
	s3 =	simm.s32 $0x0  }
0x5: {  	s15 =	simm.s32 $0x80;
	s16 =	simm.s32 $0x1000;
	s17 =	simm.s32 $0x3000  }
0x6: {  	s18 =	simm.s32 $0x1;
	s19 =	simm.s32 $0x2;
	s20 =	simm.s32 $0xB000  }
0x7: {  	s21 =	simm.s32 $0x0;
	s5 =	sand.u32 $0x1, s2;
	[smem:$0x7FF] =	sst s3  }
0x8: {  	s2 =	stileid.u32;
	s4 =	sshll.u32 s5, $0x4;
	_ =	strace $0x80000047  }
0x9: {  	s8 =	ssub.s32 $0x2, s5;
	s5 =	sadd.s32 $0x64200, s9;
	s10 =	sor.u32 s2, s4  }
0xa: {  	s4 =	sadd.s32 $0x2600, s9;
	s12 =	sshrl.u32 s8, $0x1;
	s9 =	sadd.s32 $0x7C8A0, s9  }
0xb: {  	s6 =	smul.u32 $0xC3, s10;
	s7 =	smin.u32 s10, $0xA;
	s14 =	sshll.u32 s10, $0x4  }
0xc: {  	p0 =	slt.u32 s10, $0xA;
	s12 =	ssub.s32 s8, s12;
	s11 =	sadd.s32 s11, s14  }
0xd: {  	s12 =	smax.u32 s12, $0x1;
	s6 =	sadd.s32 s7, s6;
	s7 =	simm.s32 $0xC4  }
0xe: {  	s14 =	simm.s32 $0x800;
	s7 =	simm.s32 @!p0 $0xC3;
	s13 =	sshll.u32 s6, $0x4  }
0xf: {  	v0 =	vimm.f32 $0.0e+00;
	s8 =	sadd.s32 s5, s13;
	s10 =	sadd.s32 s13, s9;
	s13 =	simm.s32 $0x3  }
.LBB2_1:
0x10: {  	[tilespmem:s3], [sflag:$0x3] =	stream.linear.gather [hbm4b:s8+s3], $0x800, $0x38;
	[tilespmem:$0xB080] =	vst v63  }
0x11: {  	_ =	swait.ge [sflag:s13], $0x800  }
0x12: {  	[sflag:s13] =	ssyncset.done $0x0  }
0x13: {  	[sflag:s13] =	ssyncadd.s32 $0xFFFFF800  }
0x14: {  	[tilespmem:s14], [sflag:$0x3] =	stream.linear.gather [hbm4b:s10+s3], $0x800, $0x38;
	[tilespmem:$0xB080] =	vst v63  }
0x15: {  	_ =	swait.ge [sflag:s13], $0x800  }
0x16: {  	[sflag:s13] =	ssyncset.done $0x0  }
0x17: {  	[sflag:s13] =	ssyncadd.s32 $0xFFFFF800  }
0x18: {  	[tilespmem:s16], [sflag:$0x1] =	stream.indirect.gather [hbm4b:s4+s15], $0x40, s3, s15, $0xb8;
	[tilespmem:$0xB080] =	vst v63  }
0x19: {  	p0 =	por $0x0, $0x0;
	s23 =	simm.s32 $0x0  }
0x1a: {  	v1 =	vimm.f32 $0.0e+00;
	v2 =	vimm.f32 $0.0e+00;
	[tilespmem:s17], [sflag:$0x1] =	stream.indirect.gather [hbm4b:s4+s15], $0x40, s14, s15, $0xb8;
	[tilespmem:$0xB080] =	vst v63  }
.LBB2_2:
0x1b: {  	s22 =	sadd.s32 $0x1, s23  }
0x1c: {  	p1 =	sge.u32 s22, s7  }
0x1d: {  	s24 =	sand.u32 @!p1 $0xF, s22  }
0x1e: {  	p3 =	sne.s32 @!p1 s24, $0x0  }
0x1f: {  	s24 =	sadd.s32 @!p1 s6, s22;
	p2 =	por p3, p1  }
0x20: {  	_ =	swait.ge [sflag:s18], $0x2000;
	p4 =	slt.s32 @!p2 s24, $0x185A  }
0x21: {  	[sflag:s18] =	ssyncset.done $0x0;
	p3 =	por @!p1 !p4, p3  }
0x22: {  	[sflag:s18] =	ssyncadd.s32 $0xFFFFE000;
	s25 =	smov.u32 s24;
	p3 =	por !p3, p1  }
0x23: {  	_ =	swait.ge [sflag:s18], $0x2000;
	s25 =	simm.s32 @!p3 $0x185A  }
0x24: {  	[sflag:s18] =	ssyncset.done $0x0;
	s25 =	sshll.u32 @!p2 s25, $0x4  }
0x25: {  	[sflag:s18] =	ssyncadd.s32 $0xFFFFE000;
	s28 =	simm.s32 @!p2 $0x0;
	s26 =	sadd.s32 @!p2 s5, s25  }
0x26: {  	[tilespmem:s28], [sflag:$0x3] =	stream.linear.gather @!p2 [hbm4b:s26+s28], $0x800, $0x38;
	[tilespmem:$0xB080] =	vst v63  }
0x27: {  	s26 =	simm.s32 @!p2 $0x3  }
0x28: {  	_ =	swait.ge @!p2 [sflag:s26], $0x800  }
0x29: {  	[sflag:s26] =	ssyncset.done @!p2 $0x0  }
0x2a: {  	s29 =	simm.s32 @!p2 $0x800;
	s25 =	sadd.s32 @!p2 s9, s25;
	[sflag:s26] =	ssyncadd.s32 @!p2 $0xFFFFF800  }
0x2b: {  	[tilespmem:s29], [sflag:$0x3] =	stream.linear.gather @!p2 [hbm4b:s25+s28], $0x800, $0x38;
	[tilespmem:$0xB080] =	vst v63  }
0x2c: {  	s28 =	sand.u32 @!p1 $0x7FFFFFF0, s22  }
0x2d: {  	s25 =	sand.u32 $0x1, s23;
	_ =	swait.ge @!p2 [sflag:s26], $0x800;
	s28 =	sadd.s32 @!p1 s6, s28  }
0x2e: {  	s29 =	sshll.u32 @!p1 s25, $0xE;
	[sflag:s26] =	ssyncset.done @!p2 $0x0;
	s28 =	smin.u32 @!p1 s28, $0x185A  }
0x2f: {  	[sflag:s26] =	ssyncadd.s32 @!p2 $0xFFFFF800;
	s24 =	ssub.s32 @!p1 s24, s28;
	s26 =	sxor.u32 @!p1 $0x4000, s29  }
0x30: {  	s29 =	simm.s32 @!p1 $0x80;
	s28 =	sor.u32 @!p1 $0x1000, s26;
	s24 =	sshll.u32 @!p1 s24, $0x7  }
0x31: {  	[tilespmem:s28], [sflag:$0x1] =	stream.indirect.gather @!p1 [hbm4b:s4+s29], $0x40, s24, s29, $0xb8;
	[tilespmem:$0xB080] =	vst v63  }
0x32: {  	s26 =	sor.u32 @!p1 $0x3000, s26;
	s24 =	sadd.s32 @!p1 $0x800, s24  }
0x33: {  	[tilespmem:s26], [sflag:$0x1] =	stream.indirect.gather @!p1 [hbm4b:s4+s29], $0x40, s24, s29, $0xb8;
	[tilespmem:$0xB080] =	vst v63  }
0x34: {  	p1 =	slt.u32 s23, $0x2  }
0x35: {  	s24 =	simm.s32 $0x1;
	s26 =	simm.s32 @!p1 $0x2  }
0x36: {  	s24 =	simm.s32 @!p0 $0x0;
	_ =	swait.ge @!p1 [sflag:s26], $0x1000  }
0x37: {  	s24 =	sshll.u32 s24, $0xE;
	[sflag:s26] =	ssyncset.done @!p1 $0x0  }
0x38: {  	s24 =	sor.u32 $0x3000, s24;
	[sflag:s26] =	ssyncadd.s32 @!p1 $0xFFFFF000  }
0x39: {  	v3 =	vld [tilespmem:s24+$0x20]  }
0x3a: {  	v4 =	vld [tilespmem:s24+$0x10]  }
0x3b: {  	v6 =	vld [tilespmem:s24+$0xFFFFE030]  }
0x3c: {  	v5 =	vld [tilespmem:s24+$0x0]  }
0x3d: {  	v7 =	vld [tilespmem:s24+$0xFFFFE020]  }
0x3e: {  	v8 =	vld [tilespmem:s24+$0xFFFFE000]  }
0x3f: {  	v9 =	vld [tilespmem:s24+$0x30]  }
0x40: {  	v10 =	vld [tilespmem:s24+$0xFFFFE010];
	v4 =	vadd.f32 v4, v6;
	_ =	sdelay $0x1  }
0x41: {  	v5 =	vadd.f32 v5, v7;
	v4 =	vadd.f32 v4, v4  }
0x42: {  	v3 =	vadd.f32 v3, v8  }
0x43: {  	v5 =	vadd.f32 v5, v5;
	v4 =	vmul.f32 $1.442695020e+00, v4  }
0x44: {  	v62 =	vadd.f32 v9, v10;
	v3 =	vadd.f32 v3, v3  }
0x45: {  	v5 =	vmul.f32 $1.442695020e+00, v5;
	(erf) = vpow2.f32 v4  }
0x46: {  	v6 =	vadd.f32 v62, v62;
	v3 =	vmul.f32 $1.442695020e+00, v3  }
0x47: {  	(erf) = vpow2.f32 v5  }
0x48: {  	v4 =	vmul.f32 $1.442695020e+00, v6;
	(erf) = vpow2.f32 v3;
	_ =	sdelay $0x1  }
0x49: {  	(erf) = vpow2.f32 v4;
	_ =	sdelay $0x3  }
0x4a: {  	v3 =	vpop (erf)  }
0x4b: {  	v3 =	vadd.f32 $1.000000000e+00, v3  }
0x4c: {  	v4 =	vpop (erf)  }
0x4d: {  	v4 =	vadd.f32 $1.000000000e+00, v4;
	v5 =	vpop (erf)  }
0x4e: {  	v5 =	vadd.f32 $1.000000000e+00, v5;
	(erf) = vrcp.f32 v3  }
0x4f: {  	(erf) = vrcp.f32 v4;
	v3 =	vpop (erf)  }
0x50: {  	(erf) = vrcp.f32 v5;
	v3 =	vadd.f32 $1.000000000e+00, v3;
	_ =	sdelay $0x1  }
0x51: {  	(erf) = vrcp.f32 v3;
	_ =	sdelay $0x4  }
0x52: {  	v3 =	vpop (erf)  }
0x53: {  	v4 =	vpop (erf)  }
0x54: {  	v4 =	vadd.f32 v4, v4;
	v5 =	vpop (erf)  }
0x55: {  	v5 =	vadd.f32 v5, v5  }
0x56: {  	v3 =	vadd.f32 v3, v3;
	v4 =	vsub.f32 $1.000000000e+00, v4;
	v63 =	vpop (erf)  }
0x57: {  	v5 =	vsub.f32 $1.000000000e+00, v5;
	v6 =	vadd.f32 v63, v63  }
0x58: {  	v3 =	vsub.f32 $1.000000000e+00, v3  }
0x59: {  	s31 =	simm.s32 $0x0;
	s25 =	sshll.u32 s25, $0xC;
	v4 =	vadd.f32 v5, v4;
	v5 =	vsub.f32 $1.000000000e+00, v6  }
0x5a: {  	s25 =	sadd.s32 $0x9000, s25;
	s28 =	sand.u32 $0xF80, s31  }
0x5b: {  	s28 =	sadd.s32 s28, s25;
	s26 =	sand.u32 $0x60, s31;
	v4 =	vmul.f32 $5.000000000e-01, v4;
	v3 =	vadd.f32 v5, v3  }
0x5c: {  	s28 =	sadd.s32 s26, s28  }
0x5d: {  	s26 =	simm.s32 $0x20;
	[tilespmem:s28+$0x0] =	vst v4;
	v2 =	vadd.f32 v4, v2;
	v3 =	vmul.f32 $5.000000000e-01, v3  }
.LBB2_3:
0x5e: {  	p1 =	sne.s32 s26, $0xFE0  }
0x5f: {  	s24 =	sadd.s32 $0x40, s24;
	[tilespmem:s28+$0x10] =	vst v3;
	v1 =	vadd.f32 v3, v1;
	s28 =	smov.u32 s26;
	s26 =	sadd.s32 $0x20, s26  }
0x60: {  	v3 =	vld [tilespmem:s24+$0x20]  }
0x61: {  	v4 =	vld [tilespmem:s24+$0x10]  }
0x62: {  	v5 =	vld [tilespmem:s24+$0x0]  }
0x63: {  	v6 =	vld [tilespmem:s24+$0xFFFFE030]  }
0x64: {  	v7 =	vld [tilespmem:s24+$0xFFFFE020]  }
0x65: {  	v8 =	vld [tilespmem:s24+$0xFFFFE000]  }
0x66: {  	v9 =	vld [tilespmem:s24+$0x30]  }
0x67: {  	v10 =	vld [tilespmem:s24+$0xFFFFE010]  }
0x68: {  	v4 =	vadd.f32 v4, v6  }
0x69: {  	v5 =	vadd.f32 v5, v7  }
0x6a: {  	v3 =	vadd.f32 v3, v8;
	v4 =	vadd.f32 v4, v4  }
0x6b: {  	v5 =	vadd.f32 v5, v5  }
0x6c: {  	v3 =	vadd.f32 v3, v3;
	v6 =	vadd.f32 v9, v10;
	v4 =	vmul.f32 $1.442695020e+00, v4  }
0x6d: {  	v5 =	vmul.f32 $1.442695020e+00, v5  }
0x6e: {  	v3 =	vmul.f32 $1.442695020e+00, v3;
	v6 =	vadd.f32 v6, v6;
	(erf) = vpow2.f32 v4  }
0x6f: {  	(erf) = vpow2.f32 v5  }
0x70: {  	v4 =	vmul.f32 $1.442695020e+00, v6;
	(erf) = vpow2.f32 v3;
	_ =	sdelay $0x1  }
0x71: {  	(erf) = vpow2.f32 v4;
	_ =	sdelay $0x4  }
0x72: {  	v3 =	vpop (erf)  }
0x73: {  	v6 =	vadd.f32 $1.000000000e+00, v3;
	v4 =	vpop (erf)  }
0x74: {  	v4 =	vadd.f32 $1.000000000e+00, v4;
	v5 =	vpop (erf)  }
0x75: {  	v5 =	vadd.f32 $1.000000000e+00, v5;
	(erf) = vrcp.f32 v6  }
0x76: {  	(erf) = vrcp.f32 v4;
	v3 =	vpop (erf)  }
0x77: {  	v3 =	vadd.f32 $1.000000000e+00, v3;
	(erf) = vrcp.f32 v5;
	_ =	sdelay $0x1  }
0x78: {  	(erf) = vrcp.f32 v3;
	_ =	sdelay $0x4  }
0x79: {  	v3 =	vpop (erf)  }
0x7a: {  	v3 =	vadd.f32 v3, v3;
	v4 =	vpop (erf)  }
0x7b: {  	v4 =	vadd.f32 v4, v4;
	v5 =	vpop (erf)  }
0x7c: {  	v5 =	vadd.f32 v5, v5  }
0x7d: {  	v4 =	vsub.f32 $1.000000000e+00, v4;
	v6 =	vpop (erf)  }
0x7e: {  	v5 =	vsub.f32 $1.000000000e+00, v5;
	v6 =	vadd.f32 v6, v6  }
0x7f: {  	v3 =	vsub.f32 $1.000000000e+00, v3  }
.Ltmp0:
0x80: {  	v4 =	vadd.f32 v5, v4;
	v5 =	vsub.f32 $1.000000000e+00, v6;
	(pc) =	sbr.rel @p1 .LBB2_3-.Ltmp0, $4  }
0x81: {  	s29 =	sand.u32 $0xF80, s28  }
0x82: {  	s28 =	sand.u32 $0x60, s28;
	s29 =	sadd.s32 s29, s25;
	v4 =	vmul.f32 $5.000000000e-01, v4;
	v3 =	vadd.f32 v5, v3  }
0x83: {  	s28 =	sadd.s32 s28, s29  }
0x84: {  	v3 =	vmul.f32 $5.000000000e-01, v3;
	[tilespmem:s28+$0x0] =	vst v4;
	v2 =	vadd.f32 v4, v2  }
0x85: {  	s23 =	sadd.s32 s6, s23;
	p1 =	sne.s32 s22, s7  }
.Ltmp1:
0x86: {  	s23 =	sshll.u32 s23, $0x9;
	(pc) =	sbr.rel @p1 .LBB2_2-.Ltmp1, $4  }
0x87: {  	s23 =	sand.u32 $0x1FFFFE00, s23  }
0x88: {  	[tilespmem:s28+$0x10] =	vst v3;
	s23 =	sadd.s32 s1, s23  }
0x89: {  	[hbm4b:s23+s3] =	stream.linear.scatter [tilespmem:s25], [sflag:$0x2], $0x1000, $0x38;
	[tilespmem:$0xB080] =	vst v63  }
0x8a: {  	p0 =	por !p0, !p0;
	v1 =	vadd.f32 v3, v1;
	s23 =	smov.u32 s22  }
0x8b: {  	_ =	swait.ge [sflag:s19], $0x1000  }
0x8c: {  	[sflag:s19] =	ssyncset.done $0x0  }
0x8d: {  	[sflag:s19] =	ssyncadd.s32 $0xFFFFF000  }
0x8e: {  	_ =	swait.ge [sflag:s19], $0x1000  }
0x8f: {  	[sflag:s19] =	ssyncset.done $0x0  }
0x90: {  	[sflag:s19] =	ssyncadd.s32 $0xFFFFF000  }
0x91: {  	[tilespmem:$0xB000] =	vst v2  }
0x92: {  	[tilespmem:$0xB010] =	vst v1  }
0x93: {  	[tilespmem:$0xB020] =	vst v0  }
0x94: {  	[tilespmem:$0xB030] =	vst v0  }
0x95: {  	[tilespmem:$0xB040] =	vst v0  }
0x96: {  	s21 =	sadd.s32 $0x1, s21;
	[tilespmem:$0xB050] =	vst v0  }
0x97: {  	p0 =	sne.s32 s21, s12;
	[tilespmem:$0xB060] =	vst v0  }
.Ltmp2:
0x98: {  	[tilespmem:$0xB070] =	vst v0;
	(pc) =	sbr.rel @p0 .LBB2_1-.Ltmp2, $4  }
0x99: {  	[hbm4b:s11+s3] =	stream.linear.scatter [tilespmem:s20], [sflag:$0x3], $0x80, $0x38;
	[tilespmem:$0xB080] =	vst v63  }
0x9a: {  	_ =	swait.ge [sflag:s13], $0x80  }
0x9b: {  	[sflag:s13] =	ssyncset.done $0x0  }
0x9c: {  	[sflag:s13] =	ssyncadd.s32 $0xFFFFFF80  }
0x9d: {  	_ =	sfence.sel $0x180000  }
0x9e: {  	[bflag:$0x0] =	sbarrier.arrive $0xFFFF  }
0x9f: {  	p0 =	sne.s32 s2, $0x0;
	_ =	strace $0x90000047  }
0xa0: {  	s0 =	sadd.s32 @!p0 $0x100000, s0;
	[bflag:$0x2] =	sbarrier.arrive $0xFFFF  }
0xa1: {  	[sflag:s0] =	ssyncadd.tile.s32 @!p0 $0x1;
	_ =	shalt  }
.Lfunc_end2:
_tile_overlayer_lowered:
.L_overlay_start_2:
0xa2: {  	(tag) =	ssettag $0x2  }
0xa3: {  	s0 =	rddreg [dreg:$0x0];
	s2 =	stileid.u32  }
0xa4: {  	s1 =	rddreg [dreg:$0x1];
	p0 =	sne.s32 s2, $0x0  }
0xa5: {  	s3 =	rddreg [dreg:$0x2];
	[bflag:$0x3] =	sbarrier.arrive $0xFFFF;
	s2 =	simm.s32 @!p0 $0x1C03  }
0xa6: {  	[timem:s3], [sflag:s2] =	dma.local @!p0 [hbm:s0], s1  }
0xa7: {  	s0 =	simm.s32 @!p0 $0x3  }
0xa8: {  	_ =	swait.ge @!p0 [sflag:s0], s1  }
0xa9: {  	s1 =	ssub.s32 @!p0 $0x0, s1;
	[sflag:s0] =	ssyncset.done @!p0 $0x0  }
0xaa: {  	[sflag:s0] =	ssyncadd.s32 @!p0 s1  }
0xab: {  	[bflag:$0x3] =	sbarrier.arrive $0xFFFF  }
0xac: {  	_ =	shalt  }

// kernel: sparse-core-data-format-call.cloned.1.call-start
scs
called_computation_lowered:
.L_overlay_start_0:
0x0: {  	s2 =	sld [smem:$0x3FD9]  }
0x1: {  	s3 =	sld [smem:$0x3FFE];
	_ =	sdelay $0x1  }
0x2: {  	s1 =	srdreg.scid  }
0x3: {  	s0 =	sand.u32 $0x1, s1  }
0x4: {  	s15 =	sshll.u32 s0, $0xA;
	s2 =	sadd.s32 s3, s2  }
0x5: {  	s2 =	sadd.s32 s2, s15  }
0x6: {  	[smem:$0x3FBB] =	sst s2  }
0x7: {  	_ = 	snop  }
0x8: {  	s2 =	sld [smem:$0x3FD0];
	_ =	sdelay $0x2  }
0x9: {  	s16 =	simm.s32 $0xA;
	s4 =	simm.s32 $0x10  }
0xa: {  	[smem:s4], [sflag:s16] =	dma.local [hbm:s2], $0x1  }
0xb: {  	_ =	swait.eq [sflag:s16], $0x1  }
0xc: {  	[sflag:s16] =	ssyncset.done $0x0  }
0xd: {  	[sflag:s16] =	ssyncadd.s32 $0xFFFFFFFF  }
0xe: {  	s17 =	sld [smem:$0x10];
	(tm) =	ssettm $0x1  }
0xf: {  	s18 =	sld [smem:$0x3FFB];
	_ =	sdelay $0x3  }
0x10: {  	_ =	strace s18  }
0x11: {  	s3 =	sld [smem:$0x3FFC];
	_ =	sdelay $0x3  }
0x12: {  	_ =	strace s3  }
0x13: {  	s3 =	sld [smem:$0x3FFD];
	_ =	sdelay $0x3  }
0x14: {  	_ =	strace s3  }
0x15: {  	_ =	strace $0x8FFFFFFF  }
0x16: {  	s19 =	sld [smem:$0x3FDB];
	_ =	sdelay $0x1  }
0x17: {  	s20 =	simm.s32 $_scs_section_size  }
0x18: {  	s5 =	simm.s32 $_size__tile_overlayer_lowered;
	s6 =	simm.s32 $_tile_overlayer_lowered  }
0x19: {  	s23 =	simm.s32 $0x1BFF;
	s22 =	sshll.u32 s6, $0x1;
	s3 =	sadd.s32 s20, s19  }
0x1a: {  	s7 =	simm.s32 $0x0;
	s21 =	sshll.u32 s5, $0x1;
	s5 =	sadd.s32 s22, s3  }
0x1b: {  	[timem:s7], [sflag:s23] =	dma.local [hbm:s5], s21  }
0x1c: {  	_ =	swait.ge [sflag:s23], s21  }
0x1d: {  	s4 =	ssub.s32 $0x0, s21;
	[sflag:s23] =	ssyncset.done $0x0  }
0x1e: {  	[sflag:s23] =	ssyncadd.s32 s4;
	_ =	sdelay $0x1  }
0x1f: {  	s24 =	simm.s32 $0x1B8B  }
0x20: {  	_ =	swait.ge [sflag:s24], $0x1  }
0x21: {  	[sflag:s24] =	ssyncset.done $0x0  }
0x22: {  	s26 =	simm.s32 $0x1B8E;
	s25 =	sld [smem:$0x3FFE];
	[sflag:s24] =	ssyncadd.s32 $0xFFFFFFFF  }
0x23: {  	s27 =	simm.s32 $execute0_lowered;
	[smem:$0x3FD2] =	sst s26  }
0x24: {  	s5 =	sshll.u32 s27, $0x1;
	_ =	strace $0x80000049;
	[dreg:$0x1] =	wrdreg $0xFFFFFFFF  }
0x25: {  	s28 =	simm.s32 $_size_execute0_lowered;
	s3 =	sadd.s32 s3, s5;
	[dreg:$0x0] =	wrdreg $0x0  }
0x26: {  	s5 =	sshll.u32 s28, $0x1;
	[dreg:$0x2] =	wrdreg s3  }
0x27: {  	[dreg:$0x3] =	wrdreg s5  }
0x28: {  	[dreg:$0x4] =	wrdreg $0xC0  }
0x29: {  	_ =	task [dreg:s7], $0x5FFFF  }
0x2a: {  	[dreg:$0x1] =	wrdreg $0xFFFFFFFF  }
0x2b: {  	[dreg:$0x0] =	wrdreg $0x60  }
0x2c: {  	[dreg:$0x2] =	wrdreg s25  }
0x2d: {  	[dreg:$0x3] =	wrdreg s17  }
0x2e: {  	[dreg:$0x4] =	wrdreg $0x9  }
0x2f: {  	_ =	task.clear_ibuf [dreg:s7], $0x5FFFF;
	_ =	strace $0x90000049  }
0x30: {  	s29 =	simm.s32 $0x9;
	_ =	strace $0x8000004B  }
0x31: {  	_ =	swait.ge [sflag:s29], $0x1  }
0x32: {  	[sflag:s29] =	ssyncadd.s32 $0xFFFFFFFF  }
0x33: {  	_ =	strace $0x9000004B  }
0x34: {  	_ =	sfence  }
0x35: {  	s30 =	sld [smem:$0x0];
	_ =	sdelay $0x2  }
0x36: {  	s31 =	sshll.u32 s1, $0xD;
	s1 =	sshrl.u32 s1, $0x2  }
0x37: {  	s3 =	sand.u32 $0x4000, s31;
	s1 =	sadd.s32 s1, s30  }
0x38: {  	s0 =	sor.u32 s3, s0;
	s1 =	sshll.u32 s1, $0x11  }
0x39: {  	s0 =	sor.u32 s1, s0  }
0x3a: {  	s0 =	sadd.s32 $0x8F2B, s0  }
0x3b: {  	[sflag:s0] =	ssyncadd.remote.s32 $0x1  }
0x3c: {  	_ =	sfence.sel $0xFFFF  }
0x3d: {  	[dreg:$0x0] =	wrdreg $0xFFFFFFFF;
	(pc) =	sbr.abs _section_cstart, $3  }
0x3e: {  	[dreg:$0x1] =	wrdreg $0xFFFFFFFF  }
0x3f: {  	_ =	task.clear_ibuf [dreg:s7], $0x2FFFF;
	_ =	strace $0x9FFFFFFF  }
0x40: {  	(tm) =	ssettm $0x7FFFFFFF  }
0x41: {  	_ =	shalt  }
tec
execute0_lowered:
.L_overlay_start_1:
0x0: {  	(tag) =	ssettag $0x1  }
0x1: {  	s0 =	srdreg.scid  }
0x2: {  	s1 =	sshll.u32 s0, $0x4  }
0x3: {  	s4 =	rddreg [dreg:$0x0];
	s0 =	stileid.u32;
	s1 =	sand.u32 $0x10, s1  }
0x4: {  	s2 =	rddreg [dreg:$0x1];
	s7 =	simm.s32 $0x1;
	s1 =	sor.u32 s0, s1  }
0x5: {  	s8 =	simm.s32 $0x2;
	s11 =	simm.s32 $0x0;
	s3 =	sshll.u32 s1, $0x7  }
0x6: {  	s10 =	simm.s32 $0x0;
	s4 =	sadd.s32 $0x2600, s4;
	s6 =	ssub.s32 $0xC3500, s3  }
.Ltmp0:
0x7: {  	s1 =	rddreg [dreg:$0x2];
	s5 =	sand.u32 $0xF80, s6;
	(pc) =	sbr.rel .LBB1_1-.Ltmp0, $4  }
0x8: {  	_ =	strace $0x8000004A;
	s9 =	smov.u32 s3;
	p0 =	sne.s32 s5, $0x0  }
0x9: {  	s6 =	sshrl.u32 s6, $0xC;
	s5 =	simm.s32 $0x1;
	s7 =	simm.s32 @!p0 $0x0  }
0xa: {  	[sflag:s5] =	ssyncpa.u1 $0x0;
	p0 =	por $0x0, $0x0;
	s6 =	sadd.s32 s7, s6  }
0xb: {  	[sflag:s8] =	ssyncpa.u1 $0x0;
	s8 =	simm.s32 $0x61A800;
	s7 =	sadd.s32 $0x1, s6  }
.LBB1_4:
0xc: {  	s14 =	sshll.u32 s11, $0x3  }
0xd: {  	s14 =	sand.u32 $0xFFFFFC00, s14  }
0xe: {  	s15 =	sshrl.u32 s14, $0x8  }
0xf: {  	s15 =	smulhi.u32 $0x14F8B59, s15;
	_ =	sdelay $0x1  }
0x10: {  	s15 =	sshrl.u32 s15, $0x4  }
0x11: {  	s28 =	sand.u32 $0x7F, s11;
	s16 =	smul.u32 $0xC3500, s15  }
0x12: {  	s11 =	sor.u32 s28, s14  }
0x13: {  	s29 =	sand.u32 $0x1F, s15;
	s11 =	ssub.s32 s11, s16  }
0x14: {  	s14 =	smul.u32 $0x186A0, s29;
	s30 =	sshrl.u32 s11, $0x3;
	s11 =	sand.u32 $0x7, s11  }
0x15: {  	s15 =	sadd.s32 s2, s30;
	s11 =	sshll.u32 s11, $0x12  }
0x16: {  	[tilespmem:s13+$0x0 ss:$0x81] =	vst.msk $0xffff, v0;
	s31 =	sadd.s32 s14, s15;
	s11 =	sor.u32 $0x400, s11  }
0x17: {  	[hbm4b:s31+s11] =	stream.strided.scatter [tilespmem:s12], [sflag:$0x2], $0x1000, s8, s11, $0x20;
	[tilespmem:$0x4040] =	vst v63  }
.LBB1_5:
0x18: {  	s13 =	sadd.s32 $0x1000, s9  }
0x19: {  	p2 =	sgt.s32 s13, $0xC34FF  }
0x1a: {  	s13 =	smov.u32 @p2 s3;
	p2 =	sne.s32 s10, s7  }
.Ltmp1:
0x1b: {  	p1 =	slt.u32 s10, $0x2;
	(pc) =	sbr.rel @!p2 .LBB1_6-.Ltmp1, $4  }
0x1c: {  	s12 =	simm.s32 @!p1 $0x2  }
0x1d: {  	s14 =	sadd.s32 $0x1, s10;
	_ =	swait.ge @!p1 [sflag:s12], $0x1000  }
0x1e: {  	s11 =	smov.u32 s9;
	p0 =	por !p0, !p0;
	[sflag:s12] =	ssyncset.done @!p1 $0x0  }
0x1f: {  	s10 =	smov.u32 s14;
	s9 =	smov.u32 s13;
	[sflag:s12] =	ssyncadd.s32 @!p1 $0xFFFFF000  }
.LBB1_1:
0x20: {  	p1 =	sge.u32 s10, s6  }
0x21: {  	s12 =	sand.u32 @!p1 $0x1FFFFFF, s9  }
0x22: {  	s13 =	smulhi.u32 @!p1 $0x14F8B59, s12;
	_ =	sdelay $0x1  }
0x23: {  	s13 =	sshrl.u32 @!p1 s13, $0xC  }
0x24: {  	s13 =	smul.u32 @!p1 $0xC3500, s13;
	_ =	sdelay $0x1  }
0x25: {  	s31 =	sadd.s32 $0xFFFFFFFF, s10;
	s14 =	sxor.u32 @!p1 $0xFFFFFFFF, s10;
	s12 =	ssub.s32 @!p1 s12, s13  }
0x26: {  	s15 =	simm.s32 @!p1 $0x80;
	s14 =	sshll.u32 @!p1 s14, $0xC;
	s12 =	sshll.u32 @!p1 s12, $0x4  }
0x27: {  	s13 =	sand.u32 @!p1 $0x1000, s14;
	s14 =	simm.s32 @!p1 $0x20;
	s12 =	sadd.s32 @!p1 s4, s12  }
0x28: {  	[tilespmem:s13], [sflag:$0x1] =	stream.strided.gather @!p1 [hbm4b:s12+s14], $0x1000, s15, s14, $0x38;
	[tilespmem:$0x4040] =	vst v63  }
0x29: {  	p1 =	sge.u32 s31, s6  }
.Ltmp2:
0x2a: {  	_ = 	snop;
	(pc) =	sbr.rel @p1 .LBB1_5-.Ltmp2, $1  }
0x2b: {  	_ =	sdelay $0x3  }
0x2c: {  	s12 =	simm.s32 $0x1  }
0x2d: {  	_ =	swait.ge [sflag:s5], $0x1000;
	s12 =	simm.s32 @!p0 $0x0  }
0x2e: {  	[sflag:s5] =	ssyncset.done $0x0;
	s13 =	sshll.u32 s12, $0xC  }
0x2f: {  	[sflag:s5] =	ssyncadd.s32 $0xFFFFF000;
	s16 =	sor.u32 $0x10, s13  }
0x30: {  	s12 =	smul.u32 $0x4080, s12;
	v1 =	vld [tilespmem:s16+$0x0]  }
0x31: {  	s30 =	sand.u32 $0x1, s10;
	v0 =	vld [tilespmem:s16+$0xFFFFFFF0]  }
0x32: {  	s13 =	smul.u32 $0x4080, s30;
	s12 =	sshrl.u32 s12, $0x2  }
0x33: {  	s14 =	sor.u32 $0x2000, s12  }
0x34: {  	s31 =	sshrl.u32 s13, $0x2;
	s13 =	sadd.s32 $0x0, s14  }
0x35: {  	s15 =	simm.s32 $0x4;
	s16 =	sadd.s32 $0x20, s16;
	s12 =	sor.u32 $0x2000, s31;
	[tilespmem:s13+$0x810 ss:$0x81] =	vst.msk $0xffff, v1  }
.LBB1_3:
0x36: {  	v1 =	vld [tilespmem:s16+$0x0];
	p1 =	sne.s32 s15, $0x1FC;
	[tilespmem:s13+$0x0 ss:$0x81] =	vst.msk $0xffff, v0;
	s13 =	smov.u32 s15;
	s15 =	sadd.s32 $0x4, s15  }
.Ltmp3:
0x37: {  	v0 =	vld [tilespmem:s16+$0xFFFFFFF0];
	(pc) =	sbr.rel @p1 .LBB1_3-.Ltmp3, $4  }
0x38: {  	_ = 	snop  }
0x39: {  	s13 =	sshra.s32 s13, $0x2  }
0x3a: {  	s13 =	sadd.s32 s13, s14  }
0x3b: {  	s16 =	sadd.s32 $0x20, s16;
	[tilespmem:s13+$0x810 ss:$0x81] =	vst.msk $0xffff, v1  }
.Ltmp4:
0x3c: {  	_ = 	snop;
	(pc) =	sbr.rel .LBB1_4-.Ltmp4, $1  }
0x3d: {  	_ =	sdelay $0x3  }
.LBB1_6:
0x3e: {  	_ =	sfence.sel $0x180000  }
0x3f: {  	s2 =	simm.s32 $0x1;
	[bflag:$0x0] =	sbarrier.arrive $0xFFFF  }
0x40: {  	s31 =	simm.s32 $0x2;
	[sflag:s2] =	ssyncpa.u1 $0x1  }
0x41: {  	[sflag:s31] =	ssyncpa.u1 $0x1  }
0x42: {  	p0 =	sne.s32 s0, $0x0;
	_ =	strace $0x9000004A  }
0x43: {  	s0 =	sadd.s32 @!p0 $0x100000, s1;
	[bflag:$0x2] =	sbarrier.arrive $0xFFFF  }
0x44: {  	[sflag:s0] =	ssyncadd.tile.s32 @!p0 $0x1;
	_ =	shalt  }
.Lfunc_end1:
_tile_overlayer_lowered:
.L_overlay_start_2:
0x45: {  	(tag) =	ssettag $0x2  }
0x46: {  	s0 =	rddreg [dreg:$0x0];
	s2 =	stileid.u32  }
0x47: {  	s1 =	rddreg [dreg:$0x1];
	p0 =	sne.s32 s2, $0x0  }
0x48: {  	s3 =	rddreg [dreg:$0x2];
	[bflag:$0x3] =	sbarrier.arrive $0xFFFF;
	s2 =	simm.s32 @!p0 $0x1C01  }
0x49: {  	[timem:s3], [sflag:s2] =	dma.local @!p0 [hbm:s0], s1  }
0x4a: {  	s0 =	simm.s32 @!p0 $0x1  }
0x4b: {  	_ =	swait.ge @!p0 [sflag:s0], s1  }
0x4c: {  	s1 =	ssub.s32 @!p0 $0x0, s1;
	[sflag:s0] =	ssyncset.done @!p0 $0x0  }
0x4d: {  	[sflag:s0] =	ssyncadd.s32 @!p0 s1  }
0x4e: {  	[bflag:$0x3] =	sbarrier.arrive $0xFFFF  }
0x4f: {  	_ =	shalt  }

</sc_bundles>
